<compile_context>
chip_gen: v7x
topology: tpu7x:2x2x1
jax: 0.10.2.dev20260603
libtpu: 0.0.44.dev20260713+nightly
codegen_flags: <defaults>
</compile_context>

<pallas_src>
import functools

import jax
import jax.numpy as jnp
from jax import lax
from jax.experimental import pallas as pl
from jax.experimental.pallas import tpu as pltpu
from jax.experimental.pallas import tpu_sc as plsc

T = 32768
H = 768
NE = 64
F = 2 * H

NC, NS, L = 2, 16, 16
NW = NC * NS
CHUNK = T // NW
GPAD = 64
LOCCAP = CHUNK + GPAD
BT = 256
NBLK = T // BT

_mesh = plsc.VectorSubcoreMesh(
    core_axis_name="c", subcore_axis_name="s", num_cores=NC, num_subcores=NS)
_sc_params = pltpu.CompilerParams(needs_layout_passes=False)


def _weights(x, Wr, br):
    router_logits = x @ Wr + br
    p = jax.nn.softmax(router_logits, axis=-1)
    plast = p[:, NE - 1]
    prest = p[:, :NE - 1]
    pmax = jnp.max(prest, axis=-1)
    n_ge = jnp.sum((prest >= plast[:, None]).astype(jnp.int32), axis=-1)
    return jnp.where(n_ge <= 1, plast / (plast + pmax), 0.0)


def _m8(v):
    return pl.multiple_of(v, 8)


@functools.partial(
    pl.kernel,
    out_type=(
        jax.ShapeDtypeStruct((NW * LOCCAP,), jnp.int32),
        jax.ShapeDtypeStruct((NW * LOCCAP,), jnp.float32),
        jax.ShapeDtypeStruct((NW * L,), jnp.int32),
    ),
    mesh=_mesh,
    compiler_params=_sc_params,
    scratch_types=[
        pltpu.VMEM((CHUNK,), jnp.float32),
        pltpu.VMEM((LOCCAP,), jnp.int32),
        pltpu.VMEM((LOCCAP,), jnp.float32),
        pltpu.VMEM((L,), jnp.int32),
    ],
)
def _compact(w_hbm, idxl_hbm, wgl_hbm, cnt_hbm, wv, idxb, wgb, cvec):
    wid = lax.axis_index("s") * NC + lax.axis_index("c")
    pltpu.sync_copy(w_hbm.at[pl.ds(_m8(wid * CHUNK), CHUNK)], wv)
    lanes = lax.iota(jnp.int32, L)

    def step(j, cnt):
        v = wv[pl.ds(j * L, L)]
        msk = v > 0.0
        gidx = wid * CHUNK + j * L + lanes
        pos = cnt + plsc.cumsum(msk.astype(jnp.int32)) - 1
        plsc.store_scatter(idxb, [pos], gidx, mask=msk)
        plsc.store_scatter(wgb, [pos], v, mask=msk)
        return cnt + jnp.sum(msk.astype(jnp.int32))

    n = lax.fori_loop(0, CHUNK // L, step, jnp.int32(0))
    m = ((n + GPAD - 1) // GPAD) * GPAD
    t0 = wid * CHUNK
    t0w = wv[pl.ds(0, L)][0]
    zi = jnp.zeros((L,), jnp.int32)
    zf = jnp.zeros((L,), jnp.float32)
    for k in range(GPAD // L):
        ppos = n + k * L + lanes
        pmask = ppos < m
        plsc.store_scatter(idxb, [ppos], zi + t0, mask=pmask)
        plsc.store_scatter(wgb, [ppos], zf + t0w, mask=pmask)
    cvec[...] = jnp.where(lanes == 0, n, jnp.where(lanes == 1, m, 0))
    pltpu.sync_copy(idxb, idxl_hbm.at[pl.ds(_m8(wid * LOCCAP), LOCCAP)])
    pltpu.sync_copy(wgb, wgl_hbm.at[pl.ds(_m8(wid * LOCCAP), LOCCAP)])
    pltpu.sync_copy(cvec, cnt_hbm.at[pl.ds(_m8(wid * L), L)])


@functools.partial(
    pl.kernel,
    out_type=(
        jax.ShapeDtypeStruct((T, H), jnp.float32),
        jax.ShapeDtypeStruct((T,), jnp.float32),
    ),
    mesh=_mesh,
    compiler_params=_sc_params,
    scratch_types=[
        pltpu.VMEM((LOCCAP,), jnp.int32),
        pltpu.VMEM((LOCCAP,), jnp.float32),
        pltpu.VMEM((NW * L,), jnp.int32),
        pltpu.VMEM((GPAD,), jnp.int32),
        pltpu.VMEM((GPAD, H), jnp.float32),
        pltpu.SemaphoreType.DMA,
    ],
)
def _gather(x_hbm, idxl_hbm, wgl_hbm, cnt_hbm, xg_hbm, wg_hbm,
            idxb, wgb, call, idxg, rows, sem):
    wid = lax.axis_index("s") * NC + lax.axis_index("c")
    pltpu.sync_copy(cnt_hbm, call)
    pltpu.sync_copy(idxl_hbm.at[pl.ds(_m8(wid * LOCCAP), LOCCAP)], idxb)
    pltpu.sync_copy(wgl_hbm.at[pl.ds(_m8(wid * LOCCAP), LOCCAP)], wgb)
    m = call[pl.ds(wid * L, L)][1]
    base = lax.fori_loop(
        0, NW,
        lambda i, b: b + jnp.where(i < wid, call[pl.ds(i * L, L)][1], 0),
        jnp.int32(0))

    def chunk(c, _):
        off = c * GPAD
        for k in range(GPAD // L):
            idxg[pl.ds(k * L, L)] = idxb[pl.ds(off + k * L, L)]
        pltpu.async_copy(x_hbm.at[idxg], rows, sem).wait()
        pltpu.sync_copy(rows, xg_hbm.at[pl.ds(_m8(base + off), GPAD)])
        pltpu.sync_copy(wgb.at[pl.ds(off, GPAD)],
                        wg_hbm.at[pl.ds(_m8(base + off), GPAD)])
        return 0

    lax.fori_loop(0, m // GPAD, chunk, 0)


def _ffn_body(xg_ref, w1_ref, b1_ref, w2_ref, b2_ref, wg_ref, yg_ref):
    h = jnp.dot(xg_ref[...], w1_ref[...],
                preferred_element_type=jnp.float32) + b1_ref[...]
    h = jnp.maximum(h, 0.0)
    y = jnp.dot(h, w2_ref[...],
                preferred_element_type=jnp.float32) + b2_ref[...]
    yg_ref[...] = y * wg_ref[...]


def _ffn(nb, xg, W1, b1, W2, b2, wg):
    return pl.pallas_call(
        _ffn_body,
        grid=(nb,),
        in_specs=[
            pl.BlockSpec((BT, H), lambda i: (i, 0)),
            pl.BlockSpec((H, F), lambda i: (0, 0)),
            pl.BlockSpec((1, F), lambda i: (0, 0)),
            pl.BlockSpec((F, H), lambda i: (0, 0)),
            pl.BlockSpec((1, H), lambda i: (0, 0)),
            pl.BlockSpec((BT, 1), lambda i: (i, 0)),
        ],
        out_specs=pl.BlockSpec((BT, H), lambda i: (i, 0)),
        out_shape=jax.ShapeDtypeStruct((T, H), jnp.float32),
    )(xg, W1, b1, W2, b2, wg)


@functools.partial(
    pl.kernel,
    out_type=jax.ShapeDtypeStruct((T, H), jnp.float32),
    mesh=_mesh,
    compiler_params=_sc_params,
    scratch_types=[pltpu.VMEM((GPAD, H), jnp.float32)],
)
def _zero(out_hbm, zbuf):
    wid = lax.axis_index("s") * NC + lax.axis_index("c")
    zv = jnp.zeros((L,), jnp.float32)

    def zrow(r, _):
        for k in range(H // L):
            zbuf[r, pl.ds(k * L, L)] = zv
        return 0

    lax.fori_loop(0, GPAD, zrow, 0)

    def zout(c, _):
        pltpu.sync_copy(
            zbuf, out_hbm.at[pl.ds(_m8(wid * CHUNK + c * GPAD), GPAD)])
        return 0

    lax.fori_loop(0, CHUNK // GPAD, zout, 0)


@functools.partial(
    pl.kernel,
    out_type=(),
    mesh=_mesh,
    compiler_params=_sc_params,
    scratch_types=[
        pltpu.VMEM((LOCCAP,), jnp.int32),
        pltpu.VMEM((NW * L,), jnp.int32),
        pltpu.VMEM((GPAD,), jnp.int32),
        pltpu.VMEM((GPAD, H), jnp.float32),
        pltpu.SemaphoreType.DMA,
    ],
)
def _scatter(yg_hbm, idxl_hbm, cnt_hbm, out_ref, idxb, call, idxs, rows, sem):
    wid = lax.axis_index("s") * NC + lax.axis_index("c")
    pltpu.sync_copy(cnt_hbm, call)
    pltpu.sync_copy(idxl_hbm.at[pl.ds(_m8(wid * LOCCAP), LOCCAP)], idxb)
    m = call[pl.ds(wid * L, L)][1]
    base = lax.fori_loop(
        0, NW,
        lambda i, b: b + jnp.where(i < wid, call[pl.ds(i * L, L)][1], 0),
        jnp.int32(0))

    def chunk(c, _):
        off = c * GPAD
        for k in range(GPAD // L):
            idxs[pl.ds(k * L, L)] = idxb[pl.ds(off + k * L, L)]
        pltpu.sync_copy(yg_hbm.at[pl.ds(_m8(base + off), GPAD)], rows)
        pltpu.async_copy(rows, out_ref.at[idxs], sem).wait()
        return 0

    lax.fori_loop(0, m // GPAD, chunk, 0)


def kernel(x, Wr, br, W1, b1, W2, b2):
    w = _weights(x, Wr, br)
    idxl, wgl, cnt = _compact(w)
    m_total = jnp.sum(cnt.reshape(NW, L)[:, 1], dtype=jnp.int32)
    nb = lax.div(m_total + BT - 1, BT)
    xg, wg = _gather(x, idxl, wgl, cnt)
    yg = _ffn(nb, xg, W1, b1.reshape(1, F), W2, b2.reshape(1, H),
              wg.reshape(T, 1))
    out_ref = jax.new_ref(_zero())
    _scatter(yg, idxl, cnt, out_ref)
    return out_ref[...]

# --- scband reference (transcript-rebuilt; emitter-appended) ---
"""Pipeline reference for scband-mo-elayer-11003706212927 (READ-ONLY COPY).

The authoritative reference and input builder live on the scoring server;
editing this copy changes nothing except your own understanding.
"""

import jax, jax.numpy as jnp
import numpy as np

HID = 768
NE = 64
TOPK = 2
T = 32768


def setup_inputs(seed: int = 0) -> dict:
    key = jax.random.key(seed)
    ks = jax.random.split(key, 6)
    x = jax.random.normal(ks[0], (T, HID), dtype=jnp.float32)
    # Router (nn.Linear(hidden_dim, num_experts)), stored transposed for x @ Wr
    Wr = jax.random.normal(ks[1], (HID, NE), dtype=jnp.float32) * (1.0 / np.sqrt(HID))
    br = jnp.zeros((NE,), dtype=jnp.float32)
    # Only expert NE-1 is ever used by the original forward (Python loop-scoping bug:
    # the expert computation sits AFTER the for-loop, so it uses the last expert_idx
    # and last expert_mask). We materialize only that expert's weights.
    W1 = jax.random.normal(ks[2], (HID, 2 * HID), dtype=jnp.float32) * (1.0 / np.sqrt(HID))
    b1 = jnp.zeros((2 * HID,), dtype=jnp.float32)
    W2 = jax.random.normal(ks[3], (2 * HID, HID), dtype=jnp.float32) * (1.0 / np.sqrt(2 * HID))
    b2 = jnp.zeros((HID,), dtype=jnp.float32)
    return {"x": x, "Wr": Wr, "br": br, "W1": W1, "b1": b1, "W2": W2, "b2": b2}


def reference(x, Wr, br, W1, b1, W2, b2):
    # Router
    router_logits = x @ Wr + br
    router_probs = jax.nn.softmax(router_logits, axis=-1)
    top_k_probs, top_k_indices = jax.lax.top_k(router_probs, TOPK)
    top_k_probs = top_k_probs / jnp.sum(top_k_probs, axis=-1, keepdims=True)
    # Original torch code only applies expert (NE-1) to tokens whose top-k set
    # contains it; all other output rows stay zero. Math-equivalent dense form:
    # weight is exactly 0 for tokens that did not route to expert NE-1.
    last = NE - 1
    positions = (top_k_indices == last).astype(x.dtype)
    expert_weight = jnp.sum(top_k_probs * positions, axis=-1, keepdims=True)
    h = jnp.maximum(x @ W1 + b1, 0.0)
    expert_output = h @ W2 + b2
    output = expert_output * expert_weight
    return output

if __name__ == "__main__":
    import jax
    _d = setup_inputs()
    print(jax.jit(kernel)(*tuple(_d.values())))

</pallas_src>

<mosaic_0001>
#map = affine_map<(d0, d1) -> (0, 0)>
module attributes {stable_mosaic.version = 14 : i64} {
  func.func @_zero(%arg0: i32, %arg1: i32, %arg2: memref<32768x768xf32, #tpu.memory_space<hbm>>, %arg3: memref<64x768xf32, #tpu.memory_space<vmem>>) attributes {dimension_semantics = [#tpu.dimension_semantics<core_parallel>, #tpu.dimension_semantics<subcore_parallel>], iteration_bounds = array<i64: 2, 16>, scalar_prefetch = 0 : i64, scratch_operands = 1 : i64, tpu.core_type = #tpu.core_type<sc_vector_subcore>, window_params = [{transform_indices = #map}]} {
    %mul3A = arith.constant 2 : i32
    %mul3A_0 = arith.muli %arg1, %mul3A : i32
    %add3A = arith.addi %mul3A_0, %arg0 : i32
    %broadcast_in_dim3A = arith.constant 0.000000e+00 : f32
    %broadcast_in_dim3A_1 = vector.broadcast %broadcast_in_dim3A : f32 to vector<16xf32>
    %scan3A = arith.constant 0 : i32
    %scan3A_2 = arith.constant 0 : i32
    %scan3A_3 = arith.constant 64 : i32
    %scan3A_4 = arith.addi %scan3A_2, %scan3A_3 : i32
    %scan3A_5 = arith.constant 1 : i32
    %scan3A_6 = scf.for %scan3A_15 = %scan3A_2 to %scan3A_4 step %scan3A_5 iter_args(%scan3A_16 = %scan3A) -> (i32)  : i32 {
      %swap3A = arith.index_cast %scan3A_15 : i32 to index
      %swap3A_17 = arith.constant 0 : index
      %swap3A_18 = tpu.vector_load %arg3[%swap3A, %swap3A_17] {strides = array<i32>} : memref<64x768xf32, #tpu.memory_space<vmem>>, vector<16xf32>,
      tpu.vector_store %arg3[%swap3A, %swap3A_17], %broadcast_in_dim3A_1 {strides = array<i32>} : memref<64x768xf32, #tpu.memory_space<vmem>>, vector<16xf32>,
      %swap3A_19 = arith.index_cast %scan3A_15 : i32 to index
      %swap3A_20 = arith.constant 16 : index
      %swap3A_21 = tpu.vector_load %arg3[%swap3A_19, %swap3A_20] {strides = array<i32>} : memref<64x768xf32, #tpu.memory_space<vmem>>, vector<16xf32>,
      tpu.vector_store %arg3[%swap3A_19, %swap3A_20], %broadcast_in_dim3A_1 {strides = array<i32>} : memref<64x768xf32, #tpu.memory_space<vmem>>, vector<16xf32>,
      %swap3A_22 = arith.index_cast %scan3A_15 : i32 to index
      %swap3A_23 = arith.constant 32 : index
      %swap3A_24 = tpu.vector_load %arg3[%swap3A_22, %swap3A_23] {strides = array<i32>} : memref<64x768xf32, #tpu.memory_space<vmem>>, vector<16xf32>,
      tpu.vector_store %arg3[%swap3A_22, %swap3A_23], %broadcast_in_dim3A_1 {strides = array<i32>} : memref<64x768xf32, #tpu.memory_space<vmem>>, vector<16xf32>,
      %swap3A_25 = arith.index_cast %scan3A_15 : i32 to index
      %swap3A_26 = arith.constant 48 : index
      %swap3A_27 = tpu.vector_load %arg3[%swap3A_25, %swap3A_26] {strides = array<i32>} : memref<64x768xf32, #tpu.memory_space<vmem>>, vector<16xf32>,
      tpu.vector_store %arg3[%swap3A_25, %swap3A_26], %broadcast_in_dim3A_1 {strides = array<i32>} : memref<64x768xf32, #tpu.memory_space<vmem>>, vector<16xf32>,
      %swap3A_28 = arith.index_cast %scan3A_15 : i32 to index
      %swap3A_29 = arith.constant 64 : index
      %swap3A_30 = tpu.vector_load %arg3[%swap3A_28, %swap3A_29] {strides = array<i32>} : memref<64x768xf32, #tpu.memory_space<vmem>>, vector<16xf32>,
      tpu.vector_store %arg3[%swap3A_28, %swap3A_29], %broadcast_in_dim3A_1 {strides = array<i32>} : memref<64x768xf32, #tpu.memory_space<vmem>>, vector<16xf32>,
      %swap3A_31 = arith.index_cast %scan3A_15 : i32 to index
      %swap3A_32 = arith.constant 80 : index
      %swap3A_33 = tpu.vector_load %arg3[%swap3A_31, %swap3A_32] {strides = array<i32>} : memref<64x768xf32, #tpu.memory_space<vmem>>, vector<16xf32>,
      tpu.vector_store %arg3[%swap3A_31, %swap3A_32], %broadcast_in_dim3A_1 {strides = array<i32>} : memref<64x768xf32, #tpu.memory_space<vmem>>, vector<16xf32>,
      %swap3A_34 = arith.index_cast %scan3A_15 : i32 to index
      %swap3A_35 = arith.constant 96 : index
      %swap3A_36 = tpu.vector_load %arg3[%swap3A_34, %swap3A_35] {strides = array<i32>} : memref<64x768xf32, #tpu.memory_space<vmem>>, vector<16xf32>,
      tpu.vector_store %arg3[%swap3A_34, %swap3A_35], %broadcast_in_dim3A_1 {strides = array<i32>} : memref<64x768xf32, #tpu.memory_space<vmem>>, vector<16xf32>,
      %swap3A_37 = arith.index_cast %scan3A_15 : i32 to index
      %swap3A_38 = arith.constant 112 : index
      %swap3A_39 = tpu.vector_load %arg3[%swap3A_37, %swap3A_38] {strides = array<i32>} : memref<64x768xf32, #tpu.memory_space<vmem>>, vector<16xf32>,
      tpu.vector_store %arg3[%swap3A_37, %swap3A_38], %broadcast_in_dim3A_1 {strides = array<i32>} : memref<64x768xf32, #tpu.memory_space<vmem>>, vector<16xf32>,
      %swap3A_40 = arith.index_cast %scan3A_15 : i32 to index
      %swap3A_41 = arith.constant 128 : index
      %swap3A_42 = tpu.vector_load %arg3[%swap3A_40, %swap3A_41] {strides = array<i32>} : memref<64x768xf32, #tpu.memory_space<vmem>>, vector<16xf32>,
      tpu.vector_store %arg3[%swap3A_40, %swap3A_41], %broadcast_in_dim3A_1 {strides = array<i32>} : memref<64x768xf32, #tpu.memory_space<vmem>>, vector<16xf32>,
      %swap3A_43 = arith.index_cast %scan3A_15 : i32 to index
      %swap3A_44 = arith.constant 144 : index
      %swap3A_45 = tpu.vector_load %arg3[%swap3A_43, %swap3A_44] {strides = array<i32>} : memref<64x768xf32, #tpu.memory_space<vmem>>, vector<16xf32>,
      tpu.vector_store %arg3[%swap3A_43, %swap3A_44], %broadcast_in_dim3A_1 {strides = array<i32>} : memref<64x768xf32, #tpu.memory_space<vmem>>, vector<16xf32>,
      %swap3A_46 = arith.index_cast %scan3A_15 : i32 to index
      %swap3A_47 = arith.constant 160 : index
      %swap3A_48 = tpu.vector_load %arg3[%swap3A_46, %swap3A_47] {strides = array<i32>} : memref<64x768xf32, #tpu.memory_space<vmem>>, vector<16xf32>,
      tpu.vector_store %arg3[%swap3A_46, %swap3A_47], %broadcast_in_dim3A_1 {strides = array<i32>} : memref<64x768xf32, #tpu.memory_space<vmem>>, vector<16xf32>,
      %swap3A_49 = arith.index_cast %scan3A_15 : i32 to index
      %swap3A_50 = arith.constant 176 : index
      %swap3A_51 = tpu.vector_load %arg3[%swap3A_49, %swap3A_50] {strides = array<i32>} : memref<64x768xf32, #tpu.memory_space<vmem>>, vector<16xf32>,
      tpu.vector_store %arg3[%swap3A_49, %swap3A_50], %broadcast_in_dim3A_1 {strides = array<i32>} : memref<64x768xf32, #tpu.memory_space<vmem>>, vector<16xf32>,
      %swap3A_52 = arith.index_cast %scan3A_15 : i32 to index
      %swap3A_53 = arith.constant 192 : index
      %swap3A_54 = tpu.vector_load %arg3[%swap3A_52, %swap3A_53] {strides = array<i32>} : memref<64x768xf32, #tpu.memory_space<vmem>>, vector<16xf32>,
      tpu.vector_store %arg3[%swap3A_52, %swap3A_53], %broadcast_in_dim3A_1 {strides = array<i32>} : memref<64x768xf32, #tpu.memory_space<vmem>>, vector<16xf32>,
      %swap3A_55 = arith.index_cast %scan3A_15 : i32 to index
      %swap3A_56 = arith.constant 208 : index
      %swap3A_57 = tpu.vector_load %arg3[%swap3A_55, %swap3A_56] {strides = array<i32>} : memref<64x768xf32, #tpu.memory_space<vmem>>, vector<16xf32>,
      tpu.vector_store %arg3[%swap3A_55, %swap3A_56], %broadcast_in_dim3A_1 {strides = array<i32>} : memref<64x768xf32, #tpu.memory_space<vmem>>, vector<16xf32>,
      %swap3A_58 = arith.index_cast %scan3A_15 : i32 to index
      %swap3A_59 = arith.constant 224 : index
      %swap3A_60 = tpu.vector_load %arg3[%swap3A_58, %swap3A_59] {strides = array<i32>} : memref<64x768xf32, #tpu.memory_space<vmem>>, vector<16xf32>,
      tpu.vector_store %arg3[%swap3A_58, %swap3A_59], %broadcast_in_dim3A_1 {strides = array<i32>} : memref<64x768xf32, #tpu.memory_space<vmem>>, vector<16xf32>,
      %swap3A_61 = arith.index_cast %scan3A_15 : i32 to index
      %swap3A_62 = arith.constant 240 : index
      %swap3A_63 = tpu.vector_load %arg3[%swap3A_61, %swap3A_62] {strides = array<i32>} : memref<64x768xf32, #tpu.memory_space<vmem>>, vector<16xf32>,
      tpu.vector_store %arg3[%swap3A_61, %swap3A_62], %broadcast_in_dim3A_1 {strides = array<i32>} : memref<64x768xf32, #tpu.memory_space<vmem>>, vector<16xf32>,
      %swap3A_64 = arith.index_cast %scan3A_15 : i32 to index
      %swap3A_65 = arith.constant 256 : index
      %swap3A_66 = tpu.vector_load %arg3[%swap3A_64, %swap3A_65] {strides = array<i32>} : memref<64x768xf32, #tpu.memory_space<vmem>>, vector<16xf32>,
      tpu.vector_store %arg3[%swap3A_64, %swap3A_65], %broadcast_in_dim3A_1 {strides = array<i32>} : memref<64x768xf32, #tpu.memory_space<vmem>>, vector<16xf32>,
      %swap3A_67 = arith.index_cast %scan3A_15 : i32 to index
      %swap3A_68 = arith.constant 272 : index
      %swap3A_69 = tpu.vector_load %arg3[%swap3A_67, %swap3A_68] {strides = array<i32>} : memref<64x768xf32, #tpu.memory_space<vmem>>, vector<16xf32>,
      tpu.vector_store %arg3[%swap3A_67, %swap3A_68], %broadcast_in_dim3A_1 {strides = array<i32>} : memref<64x768xf32, #tpu.memory_space<vmem>>, vector<16xf32>,
      %swap3A_70 = arith.index_cast %scan3A_15 : i32 to index
      %swap3A_71 = arith.constant 288 : index
      %swap3A_72 = tpu.vector_load %arg3[%swap3A_70, %swap3A_71] {strides = array<i32>} : memref<64x768xf32, #tpu.memory_space<vmem>>, vector<16xf32>,
      tpu.vector_store %arg3[%swap3A_70, %swap3A_71], %broadcast_in_dim3A_1 {strides = array<i32>} : memref<64x768xf32, #tpu.memory_space<vmem>>, vector<16xf32>,
      %swap3A_73 = arith.index_cast %scan3A_15 : i32 to index
      %swap3A_74 = arith.constant 304 : index
      %swap3A_75 = tpu.vector_load %arg3[%swap3A_73, %swap3A_74] {strides = array<i32>} : memref<64x768xf32, #tpu.memory_space<vmem>>, vector<16xf32>,
      tpu.vector_store %arg3[%swap3A_73, %swap3A_74], %broadcast_in_dim3A_1 {strides = array<i32>} : memref<64x768xf32, #tpu.memory_space<vmem>>, vector<16xf32>,
      %swap3A_76 = arith.index_cast %scan3A_15 : i32 to index
      %swap3A_77 = arith.constant 320 : index
      %swap3A_78 = tpu.vector_load %arg3[%swap3A_76, %swap3A_77] {strides = array<i32>} : memref<64x768xf32, #tpu.memory_space<vmem>>, vector<16xf32>,
      tpu.vector_store %arg3[%swap3A_76, %swap3A_77], %broadcast_in_dim3A_1 {strides = array<i32>} : memref<64x768xf32, #tpu.memory_space<vmem>>, vector<16xf32>,
      %swap3A_79 = arith.index_cast %scan3A_15 : i32 to index
      %swap3A_80 = arith.constant 336 : index
      %swap3A_81 = tpu.vector_load %arg3[%swap3A_79, %swap3A_80] {strides = array<i32>} : memref<64x768xf32, #tpu.memory_space<vmem>>, vector<16xf32>,
      tpu.vector_store %arg3[%swap3A_79, %swap3A_80], %broadcast_in_dim3A_1 {strides = array<i32>} : memref<64x768xf32, #tpu.memory_space<vmem>>, vector<16xf32>,
      %swap3A_82 = arith.index_cast %scan3A_15 : i32 to index
      %swap3A_83 = arith.constant 352 : index
      %swap3A_84 = tpu.vector_load %arg3[%swap3A_82, %swap3A_83] {strides = array<i32>} : memref<64x768xf32, #tpu.memory_space<vmem>>, vector<16xf32>,
      tpu.vector_store %arg3[%swap3A_82, %swap3A_83], %broadcast_in_dim3A_1 {strides = array<i32>} : memref<64x768xf32, #tpu.memory_space<vmem>>, vector<16xf32>,
      %swap3A_85 = arith.index_cast %scan3A_15 : i32 to index
      %swap3A_86 = arith.constant 368 : index
      %swap3A_87 = tpu.vector_load %arg3[%swap3A_85, %swap3A_86] {strides = array<i32>} : memref<64x768xf32, #tpu.memory_space<vmem>>, vector<16xf32>,
      tpu.vector_store %arg3[%swap3A_85, %swap3A_86], %broadcast_in_dim3A_1 {strides = array<i32>} : memref<64x768xf32, #tpu.memory_space<vmem>>, vector<16xf32>,
      %swap3A_88 = arith.index_cast %scan3A_15 : i32 to index
      %swap3A_89 = arith.constant 384 : index
      %swap3A_90 = tpu.vector_load %arg3[%swap3A_88, %swap3A_89] {strides = array<i32>} : memref<64x768xf32, #tpu.memory_space<vmem>>, vector<16xf32>,
      tpu.vector_store %arg3[%swap3A_88, %swap3A_89], %broadcast_in_dim3A_1 {strides = array<i32>} : memref<64x768xf32, #tpu.memory_space<vmem>>, vector<16xf32>,
      %swap3A_91 = arith.index_cast %scan3A_15 : i32 to index
      %swap3A_92 = arith.constant 400 : index
      %swap3A_93 = tpu.vector_load %arg3[%swap3A_91, %swap3A_92] {strides = array<i32>} : memref<64x768xf32, #tpu.memory_space<vmem>>, vector<16xf32>,
      tpu.vector_store %arg3[%swap3A_91, %swap3A_92], %broadcast_in_dim3A_1 {strides = array<i32>} : memref<64x768xf32, #tpu.memory_space<vmem>>, vector<16xf32>,
      %swap3A_94 = arith.index_cast %scan3A_15 : i32 to index
      %swap3A_95 = arith.constant 416 : index
      %swap3A_96 = tpu.vector_load %arg3[%swap3A_94, %swap3A_95] {strides = array<i32>} : memref<64x768xf32, #tpu.memory_space<vmem>>, vector<16xf32>,
      tpu.vector_store %arg3[%swap3A_94, %swap3A_95], %broadcast_in_dim3A_1 {strides = array<i32>} : memref<64x768xf32, #tpu.memory_space<vmem>>, vector<16xf32>,
      %swap3A_97 = arith.index_cast %scan3A_15 : i32 to index
      %swap3A_98 = arith.constant 432 : index
      %swap3A_99 = tpu.vector_load %arg3[%swap3A_97, %swap3A_98] {strides = array<i32>} : memref<64x768xf32, #tpu.memory_space<vmem>>, vector<16xf32>,
      tpu.vector_store %arg3[%swap3A_97, %swap3A_98], %broadcast_in_dim3A_1 {strides = array<i32>} : memref<64x768xf32, #tpu.memory_space<vmem>>, vector<16xf32>,
      %swap3A_100 = arith.index_cast %scan3A_15 : i32 to index
      %swap3A_101 = arith.constant 448 : index
      %swap3A_102 = tpu.vector_load %arg3[%swap3A_100, %swap3A_101] {strides = array<i32>} : memref<64x768xf32, #tpu.memory_space<vmem>>, vector<16xf32>,
      tpu.vector_store %arg3[%swap3A_100, %swap3A_101], %broadcast_in_dim3A_1 {strides = array<i32>} : memref<64x768xf32, #tpu.memory_space<vmem>>, vector<16xf32>,
      %swap3A_103 = arith.index_cast %scan3A_15 : i32 to index
      %swap3A_104 = arith.constant 464 : index
      %swap3A_105 = tpu.vector_load %arg3[%swap3A_103, %swap3A_104] {strides = array<i32>} : memref<64x768xf32, #tpu.memory_space<vmem>>, vector<16xf32>,
      tpu.vector_store %arg3[%swap3A_103, %swap3A_104], %broadcast_in_dim3A_1 {strides = array<i32>} : memref<64x768xf32, #tpu.memory_space<vmem>>, vector<16xf32>,
      %swap3A_106 = arith.index_cast %scan3A_15 : i32 to index
      %swap3A_107 = arith.constant 480 : index
      %swap3A_108 = tpu.vector_load %arg3[%swap3A_106, %swap3A_107] {strides = array<i32>} : memref<64x768xf32, #tpu.memory_space<vmem>>, vector<16xf32>,
      tpu.vector_store %arg3[%swap3A_106, %swap3A_107], %broadcast_in_dim3A_1 {strides = array<i32>} : memref<64x768xf32, #tpu.memory_space<vmem>>, vector<16xf32>,
      %swap3A_109 = arith.index_cast %scan3A_15 : i32 to index
      %swap3A_110 = arith.constant 496 : index
      %swap3A_111 = tpu.vector_load %arg3[%swap3A_109, %swap3A_110] {strides = array<i32>} : memref<64x768xf32, #tpu.memory_space<vmem>>, vector<16xf32>,
      tpu.vector_store %arg3[%swap3A_109, %swap3A_110], %broadcast_in_dim3A_1 {strides = array<i32>} : memref<64x768xf32, #tpu.memory_space<vmem>>, vector<16xf32>,
      %swap3A_112 = arith.index_cast %scan3A_15 : i32 to index
      %swap3A_113 = arith.constant 512 : index
      %swap3A_114 = tpu.vector_load %arg3[%swap3A_112, %swap3A_113] {strides = array<i32>} : memref<64x768xf32, #tpu.memory_space<vmem>>, vector<16xf32>,
      tpu.vector_store %arg3[%swap3A_112, %swap3A_113], %broadcast_in_dim3A_1 {strides = array<i32>} : memref<64x768xf32, #tpu.memory_space<vmem>>, vector<16xf32>,
      %swap3A_115 = arith.index_cast %scan3A_15 : i32 to index
      %swap3A_116 = arith.constant 528 : index
      %swap3A_117 = tpu.vector_load %arg3[%swap3A_115, %swap3A_116] {strides = array<i32>} : memref<64x768xf32, #tpu.memory_space<vmem>>, vector<16xf32>,
      tpu.vector_store %arg3[%swap3A_115, %swap3A_116], %broadcast_in_dim3A_1 {strides = array<i32>} : memref<64x768xf32, #tpu.memory_space<vmem>>, vector<16xf32>,
      %swap3A_118 = arith.index_cast %scan3A_15 : i32 to index
      %swap3A_119 = arith.constant 544 : index
      %swap3A_120 = tpu.vector_load %arg3[%swap3A_118, %swap3A_119] {strides = array<i32>} : memref<64x768xf32, #tpu.memory_space<vmem>>, vector<16xf32>,
      tpu.vector_store %arg3[%swap3A_118, %swap3A_119], %broadcast_in_dim3A_1 {strides = array<i32>} : memref<64x768xf32, #tpu.memory_space<vmem>>, vector<16xf32>,
      %swap3A_121 = arith.index_cast %scan3A_15 : i32 to index
      %swap3A_122 = arith.constant 560 : index
      %swap3A_123 = tpu.vector_load %arg3[%swap3A_121, %swap3A_122] {strides = array<i32>} : memref<64x768xf32, #tpu.memory_space<vmem>>, vector<16xf32>,
      tpu.vector_store %arg3[%swap3A_121, %swap3A_122], %broadcast_in_dim3A_1 {strides = array<i32>} : memref<64x768xf32, #tpu.memory_space<vmem>>, vector<16xf32>,
      %swap3A_124 = arith.index_cast %scan3A_15 : i32 to index
      %swap3A_125 = arith.constant 576 : index
      %swap3A_126 = tpu.vector_load %arg3[%swap3A_124, %swap3A_125] {strides = array<i32>} : memref<64x768xf32, #tpu.memory_space<vmem>>, vector<16xf32>,
      tpu.vector_store %arg3[%swap3A_124, %swap3A_125], %broadcast_in_dim3A_1 {strides = array<i32>} : memref<64x768xf32, #tpu.memory_space<vmem>>, vector<16xf32>,
      %swap3A_127 = arith.index_cast %scan3A_15 : i32 to index
      %swap3A_128 = arith.constant 592 : index
      %swap3A_129 = tpu.vector_load %arg3[%swap3A_127, %swap3A_128] {strides = array<i32>} : memref<64x768xf32, #tpu.memory_space<vmem>>, vector<16xf32>,
      tpu.vector_store %arg3[%swap3A_127, %swap3A_128], %broadcast_in_dim3A_1 {strides = array<i32>} : memref<64x768xf32, #tpu.memory_space<vmem>>, vector<16xf32>,
      %swap3A_130 = arith.index_cast %scan3A_15 : i32 to index
      %swap3A_131 = arith.constant 608 : index
      %swap3A_132 = tpu.vector_load %arg3[%swap3A_130, %swap3A_131] {strides = array<i32>} : memref<64x768xf32, #tpu.memory_space<vmem>>, vector<16xf32>,
      tpu.vector_store %arg3[%swap3A_130, %swap3A_131], %broadcast_in_dim3A_1 {strides = array<i32>} : memref<64x768xf32, #tpu.memory_space<vmem>>, vector<16xf32>,
      %swap3A_133 = arith.index_cast %scan3A_15 : i32 to index
      %swap3A_134 = arith.constant 624 : index
      %swap3A_135 = tpu.vector_load %arg3[%swap3A_133, %swap3A_134] {strides = array<i32>} : memref<64x768xf32, #tpu.memory_space<vmem>>, vector<16xf32>,
      tpu.vector_store %arg3[%swap3A_133, %swap3A_134], %broadcast_in_dim3A_1 {strides = array<i32>} : memref<64x768xf32, #tpu.memory_space<vmem>>, vector<16xf32>,
      %swap3A_136 = arith.index_cast %scan3A_15 : i32 to index
      %swap3A_137 = arith.constant 640 : index
      %swap3A_138 = tpu.vector_load %arg3[%swap3A_136, %swap3A_137] {strides = array<i32>} : memref<64x768xf32, #tpu.memory_space<vmem>>, vector<16xf32>,
      tpu.vector_store %arg3[%swap3A_136, %swap3A_137], %broadcast_in_dim3A_1 {strides = array<i32>} : memref<64x768xf32, #tpu.memory_space<vmem>>, vector<16xf32>,
      %swap3A_139 = arith.index_cast %scan3A_15 : i32 to index
      %swap3A_140 = arith.constant 656 : index
      %swap3A_141 = tpu.vector_load %arg3[%swap3A_139, %swap3A_140] {strides = array<i32>} : memref<64x768xf32, #tpu.memory_space<vmem>>, vector<16xf32>,
      tpu.vector_store %arg3[%swap3A_139, %swap3A_140], %broadcast_in_dim3A_1 {strides = array<i32>} : memref<64x768xf32, #tpu.memory_space<vmem>>, vector<16xf32>,
      %swap3A_142 = arith.index_cast %scan3A_15 : i32 to index
      %swap3A_143 = arith.constant 672 : index
      %swap3A_144 = tpu.vector_load %arg3[%swap3A_142, %swap3A_143] {strides = array<i32>} : memref<64x768xf32, #tpu.memory_space<vmem>>, vector<16xf32>,
      tpu.vector_store %arg3[%swap3A_142, %swap3A_143], %broadcast_in_dim3A_1 {strides = array<i32>} : memref<64x768xf32, #tpu.memory_space<vmem>>, vector<16xf32>,
      %swap3A_145 = arith.index_cast %scan3A_15 : i32 to index
      %swap3A_146 = arith.constant 688 : index
      %swap3A_147 = tpu.vector_load %arg3[%swap3A_145, %swap3A_146] {strides = array<i32>} : memref<64x768xf32, #tpu.memory_space<vmem>>, vector<16xf32>,
      tpu.vector_store %arg3[%swap3A_145, %swap3A_146], %broadcast_in_dim3A_1 {strides = array<i32>} : memref<64x768xf32, #tpu.memory_space<vmem>>, vector<16xf32>,
      %swap3A_148 = arith.index_cast %scan3A_15 : i32 to index
      %swap3A_149 = arith.constant 704 : index
      %swap3A_150 = tpu.vector_load %arg3[%swap3A_148, %swap3A_149] {strides = array<i32>} : memref<64x768xf32, #tpu.memory_space<vmem>>, vector<16xf32>,
      tpu.vector_store %arg3[%swap3A_148, %swap3A_149], %broadcast_in_dim3A_1 {strides = array<i32>} : memref<64x768xf32, #tpu.memory_space<vmem>>, vector<16xf32>,
      %swap3A_151 = arith.index_cast %scan3A_15 : i32 to index
      %swap3A_152 = arith.constant 720 : index
      %swap3A_153 = tpu.vector_load %arg3[%swap3A_151, %swap3A_152] {strides = array<i32>} : memref<64x768xf32, #tpu.memory_space<vmem>>, vector<16xf32>,
      tpu.vector_store %arg3[%swap3A_151, %swap3A_152], %broadcast_in_dim3A_1 {strides = array<i32>} : memref<64x768xf32, #tpu.memory_space<vmem>>, vector<16xf32>,
      %swap3A_154 = arith.index_cast %scan3A_15 : i32 to index
      %swap3A_155 = arith.constant 736 : index
      %swap3A_156 = tpu.vector_load %arg3[%swap3A_154, %swap3A_155] {strides = array<i32>} : memref<64x768xf32, #tpu.memory_space<vmem>>, vector<16xf32>,
      tpu.vector_store %arg3[%swap3A_154, %swap3A_155], %broadcast_in_dim3A_1 {strides = array<i32>} : memref<64x768xf32, #tpu.memory_space<vmem>>, vector<16xf32>,
      %swap3A_157 = arith.index_cast %scan3A_15 : i32 to index
      %swap3A_158 = arith.constant 752 : index
      %swap3A_159 = tpu.vector_load %arg3[%swap3A_157, %swap3A_158] {strides = array<i32>} : memref<64x768xf32, #tpu.memory_space<vmem>>, vector<16xf32>,
      tpu.vector_store %arg3[%swap3A_157, %swap3A_158], %broadcast_in_dim3A_1 {strides = array<i32>} : memref<64x768xf32, #tpu.memory_space<vmem>>, vector<16xf32>,
      %scan3A_160 = arith.constant 0 : i32
      scf.yield %scan3A_160 : i32
    }
    %scan3A_7 = arith.constant 64 : i32
    %scan3A_8 = arith.constant 0 : i32
    %scan3A_9 = arith.constant 0 : i32
    %scan3A_10 = arith.constant 16 : i32
    %scan3A_11 = arith.addi %scan3A_9, %scan3A_10 : i32
    %scan3A_12 = arith.constant 1 : i32
    %scan3A_13 = scf.for %scan3A_15 = %scan3A_9 to %scan3A_11 step %scan3A_12 iter_args(%scan3A_16 = %scan3A_8) -> (i32)  : i32 {
      %mul3A_17 = arith.constant 1024 : i32
      %mul3A_18 = arith.muli %add3A, %mul3A_17 : i32
      %mul3A_19 = arith.constant 64 : i32
      %mul3A_20 = arith.muli %scan3A_15, %mul3A_19 : i32
      %add3A_21 = arith.addi %mul3A_18, %mul3A_20 : i32
      %multiple_of3A = tpu.assume_multiple %add3A_21, 8 : i32
      "tpu.region"() ({
        %run_scoped3A = tpu.sem_alloc : memref<!tpu.dma_semaphore, #tpu.memory_space<semaphore_mem>>
        %dma_start3A = arith.constant 0 : i32
        %dma_start3A_23 = tpu.memref_slice %arg2[%multiple_of3A, %dma_start3A] : memref<32768x768xf32, #tpu.memory_space<hbm>> -> memref<64x768xf32, #tpu.memory_space<hbm>>
        %dma_start3A_24 = arith.constant 0 : i32
        %dma_start3A_25 = tpu.memref_slice %arg2[%multiple_of3A, %dma_start3A_24] : memref<32768x768xf32, #tpu.memory_space<hbm>> -> memref<64x768xf32, #tpu.memory_space<hbm>>
        tpu.enqueue_dma source(%arg3 : memref<64x768xf32, #tpu.memory_space<vmem>>) target(%dma_start3A_25 : memref<64x768xf32, #tpu.memory_space<hbm>>) target_semaphore(%run_scoped3A : memref<!tpu.dma_semaphore, #tpu.memory_space<semaphore_mem>>)
        %dma_wait3A = arith.constant 0 : i32
        %dma_wait3A_26 = tpu.memref_slice %arg2[%multiple_of3A, %dma_wait3A] : memref<32768x768xf32, #tpu.memory_space<hbm>> -> memref<64x768xf32, #tpu.memory_space<hbm>>
        %dma_wait3A_27 = arith.constant 0 : i32
        %dma_wait3A_28 = tpu.memref_slice %arg2[%multiple_of3A, %dma_wait3A_27] : memref<32768x768xf32, #tpu.memory_space<hbm>> -> memref<64x768xf32, #tpu.memory_space<hbm>>
        tpu.wait_dma2 semaphore(%run_scoped3A : memref<!tpu.dma_semaphore, #tpu.memory_space<semaphore_mem>>) src(%arg3 : memref<64x768xf32, #tpu.memory_space<vmem>>) dst(%dma_wait3A_28 : memref<64x768xf32, #tpu.memory_space<hbm>>)
        tpu.yield
      }) : () -> ()
      %scan3A_22 = arith.constant 0 : i32
      scf.yield %scan3A_22 : i32
    }
    %scan3A_14 = arith.constant 16 : i32
    return
  }
}

#map = affine_map<(d0, d1) -> (0, 0)>
#map1 = affine_map<(d0, d1) -> (0)>
module attributes {stable_mosaic.version = 14 : i64} {
  func.func @new_body(%arg0: i32, %arg1: i32, %arg2: memref<32768x768xf32, #tpu.memory_space<hbm>>, %arg3: memref<34816xi32, #tpu.memory_space<hbm>>, %arg4: memref<512xi32, #tpu.memory_space<hbm>>, %arg5: memref<32768x768xf32, #tpu.memory_space<hbm>>, %arg6: memref<32768x768xf32, #tpu.memory_space<hbm>>, %arg7: memref<1088xi32, #tpu.memory_space<vmem>>, %arg8: memref<512xi32, #tpu.memory_space<vmem>>, %arg9: memref<64xi32, #tpu.memory_space<vmem>>, %arg10: memref<64x768xf32, #tpu.memory_space<vmem>>, %arg11: memref<!tpu.dma_semaphore, #tpu.memory_space<semaphore_mem>>) attributes {dimension_semantics = [#tpu.dimension_semantics<core_parallel>, #tpu.dimension_semantics<subcore_parallel>], iteration_bounds = array<i64: 2, 16>, scalar_prefetch = 0 : i64, scratch_operands = 5 : i64, tpu.core_type = #tpu.core_type<sc_vector_subcore>, window_params = [{transform_indices = #map}, {transform_indices = #map1}, {transform_indices = #map1}, {transform_indices = #map}, {transform_indices = #map}]} {
    %mul3A = arith.constant 2 : i32
    %mul3A_0 = arith.muli %arg1, %mul3A : i32
    %add3A = arith.addi %mul3A_0, %arg0 : i32
    "tpu.region"() ({
      %run_scoped3A = tpu.sem_alloc : memref<!tpu.dma_semaphore, #tpu.memory_space<semaphore_mem>>
      tpu.enqueue_dma source(%arg4 : memref<512xi32, #tpu.memory_space<hbm>>) target(%arg8 : memref<512xi32, #tpu.memory_space<vmem>>) target_semaphore(%run_scoped3A : memref<!tpu.dma_semaphore, #tpu.memory_space<semaphore_mem>>)
      tpu.wait_dma2 semaphore(%run_scoped3A : memref<!tpu.dma_semaphore, #tpu.memory_space<semaphore_mem>>) src(%arg4 : memref<512xi32, #tpu.memory_space<hbm>>) dst(%arg8 : memref<512xi32, #tpu.memory_space<vmem>>)
      tpu.yield
    }) : () -> ()
    %mul3A_1 = arith.constant 1088 : i32
    %mul3A_2 = arith.muli %add3A, %mul3A_1 : i32
    %multiple_of3A = tpu.assume_multiple %mul3A_2, 8 : i32
    "tpu.region"() ({
      %run_scoped3A = tpu.sem_alloc : memref<!tpu.dma_semaphore, #tpu.memory_space<semaphore_mem>>
      %dma_start3A = tpu.memref_slice %arg3[%multiple_of3A] : memref<34816xi32, #tpu.memory_space<hbm>> -> memref<1088xi32, #tpu.memory_space<hbm>>
      %dma_start3A_39 = tpu.memref_slice %arg3[%multiple_of3A] : memref<34816xi32, #tpu.memory_space<hbm>> -> memref<1088xi32, #tpu.memory_space<hbm>>
      tpu.enqueue_dma source(%dma_start3A_39 : memref<1088xi32, #tpu.memory_space<hbm>>) target(%arg7 : memref<1088xi32, #tpu.memory_space<vmem>>) target_semaphore(%run_scoped3A : memref<!tpu.dma_semaphore, #tpu.memory_space<semaphore_mem>>)
      %dma_wait3A = tpu.memref_slice %arg3[%multiple_of3A] : memref<34816xi32, #tpu.memory_space<hbm>> -> memref<1088xi32, #tpu.memory_space<hbm>>
      %dma_wait3A_40 = tpu.memref_slice %arg3[%multiple_of3A] : memref<34816xi32, #tpu.memory_space<hbm>> -> memref<1088xi32, #tpu.memory_space<hbm>>
      tpu.wait_dma2 semaphore(%run_scoped3A : memref<!tpu.dma_semaphore, #tpu.memory_space<semaphore_mem>>) src(%dma_wait3A_40 : memref<1088xi32, #tpu.memory_space<hbm>>) dst(%arg7 : memref<1088xi32, #tpu.memory_space<vmem>>)
      tpu.yield
    }) : () -> ()
    %mul3A_3 = arith.constant 16 : i32
    %mul3A_4 = arith.muli %add3A, %mul3A_3 : i32
    %get3A = arith.index_cast %mul3A_4 : i32 to index
    %get3A_5 = tpu.vector_load %arg8[%get3A] {strides = array<i32>} : memref<512xi32, #tpu.memory_space<vmem>>, vector<16xi32>,
    %slice3A = vector.extract_strided_slice %get3A_5 {offsets = [1], sizes = [1], strides = [1]} : vector<16xi32> to vector<1xi32>
    %squeeze3A = vector.extract %slice3A[0] : i32 from vector<1xi32>
    %scan3A = arith.constant 0 : i32
    %scan3A_6 = arith.constant 0 : i32
    %scan3A_7 = arith.constant 32 : i32
    %scan3A_8 = arith.addi %scan3A_6, %scan3A_7 : i32
    %scan3A_9 = arith.constant 1 : i32
    %scan3A_10 = scf.for %scan3A_39 = %scan3A_6 to %scan3A_8 step %scan3A_9 iter_args(%scan3A_40 = %scan3A) -> (i32)  : i32 {
      %lt3A = arith.cmpi slt, %scan3A_39, %add3A : i32
      %mul3A_41 = arith.constant 16 : i32
      %mul3A_42 = arith.muli %scan3A_39, %mul3A_41 : i32
      %get3A_43 = arith.index_cast %mul3A_42 : i32 to index
      %get3A_44 = tpu.vector_load %arg8[%get3A_43] {strides = array<i32>} : memref<512xi32, #tpu.memory_space<vmem>>, vector<16xi32>,
      %slice3A_45 = vector.extract_strided_slice %get3A_44 {offsets = [1], sizes = [1], strides = [1]} : vector<16xi32> to vector<1xi32>
      %squeeze3A_46 = vector.extract %slice3A_45[0] : i32 from vector<1xi32>
      %jit3A_47 = arith.constant 0 : i32
      %select_n3A_48 = arith.select %lt3A, %squeeze3A_46, %jit3A_47 : i32
      %add3A_49 = arith.addi %scan3A_40, %select_n3A_48 : i32
      scf.yield %add3A_49 : i32
    }
    %scan3A_11 = arith.constant 32 : i32
    %jit3A = arith.constant 64 : i32
    %div3A = arith.divsi %squeeze3A, %jit3A : i32
    %sign3A = arith.constant 0 : i32
    %sign3A_12 = arith.cmpi sgt, %squeeze3A, %sign3A : i32
    %sign3A_13 = arith.extui %sign3A_12 : i1 to i32
    %sign3A_14 = arith.constant 0 : i32
    %sign3A_15 = arith.cmpi slt, %squeeze3A, %sign3A_14 : i32
    %sign3A_16 = arith.extui %sign3A_15 : i1 to i32
    %sign3A_17 = arith.subi %sign3A_13, %sign3A_16 : i32
    %sign3A_18 = arith.constant 0 : i32
    %sign3A_19 = arith.cmpi sgt, %jit3A, %sign3A_18 : i32
    %sign3A_20 = arith.extui %sign3A_19 : i1 to i32
    %sign3A_21 = arith.constant 0 : i32
    %sign3A_22 = arith.cmpi slt, %jit3A, %sign3A_21 : i32
    %sign3A_23 = arith.extui %sign3A_22 : i1 to i32
    %sign3A_24 = arith.subi %sign3A_20, %sign3A_23 : i32
    %ne3A = arith.cmpi ne, %sign3A_17, %sign3A_24 : i32
    %rem3A = arith.remsi %squeeze3A, %jit3A : i32
    %ne3A_25 = arith.constant 0 : i32
    %ne3A_26 = arith.cmpi ne, %rem3A, %ne3A_25 : i32
    %and3A = arith.andi %ne3A, %ne3A_26 : i1
    %sub3A = arith.constant 1 : i32
    %sub3A_27 = arith.subi %div3A, %sub3A : i32
    %select_n3A = arith.select %and3A, %sub3A_27, %div3A : i32
    %while3A = arith.constant 0 : i32
    %while3A_28 = arith.constant 0 : i32
    %while3A_29 = arith.subi %select_n3A, %while3A : i32
    %while3A_30 = arith.addi %while3A, %while3A_29 : i32
    %while3A_31 = arith.constant 1 : i32
    %while3A_32 = arith.divsi %while3A_29, %while3A_31 : i32
    %while3A_33 = arith.muli %while3A_32, %while3A_31 : i32
    %while3A_34 = arith.addi %while3A, %while3A_33 : i32
    %while3A_35 = arith.constant 1 : i32
    %while3A_36 = scf.for %while3A_39 = %while3A to %while3A_34 step %while3A_35 iter_args(%while3A_40 = %while3A_28) -> (i32)  : i32 {
      %mul3A_41 = arith.constant 64 : i32
      %mul3A_42 = arith.muli %while3A_39, %mul3A_41 : i32
      %add3A_43 = arith.constant 0 : i32
      %add3A_44 = arith.addi %mul3A_42, %add3A_43 : i32
      %get3A_45 = arith.index_cast %add3A_44 : i32 to index
      %get3A_46 = tpu.vector_load %arg7[%get3A_45] {strides = array<i32>} : memref<1088xi32, #tpu.memory_space<vmem>>, vector<16xi32>,
      %swap3A = arith.constant 0 : index
      %swap3A_47 = tpu.vector_load %arg9[%swap3A] {strides = array<i32>} : memref<64xi32, #tpu.memory_space<vmem>>, vector<16xi32>,
      tpu.vector_store %arg9[%swap3A], %get3A_46 {strides = array<i32>} : memref<64xi32, #tpu.memory_space<vmem>>, vector<16xi32>,
      %add3A_48 = arith.constant 16 : i32
      %add3A_49 = arith.addi %mul3A_42, %add3A_48 : i32
      %get3A_50 = arith.index_cast %add3A_49 : i32 to index
      %get3A_51 = tpu.vector_load %arg7[%get3A_50] {strides = array<i32>} : memref<1088xi32, #tpu.memory_space<vmem>>, vector<16xi32>,
      %swap3A_52 = arith.constant 16 : index
      %swap3A_53 = tpu.vector_load %arg9[%swap3A_52] {strides = array<i32>} : memref<64xi32, #tpu.memory_space<vmem>>, vector<16xi32>,
      tpu.vector_store %arg9[%swap3A_52], %get3A_51 {strides = array<i32>} : memref<64xi32, #tpu.memory_space<vmem>>, vector<16xi32>,
      %add3A_54 = arith.constant 32 : i32
      %add3A_55 = arith.addi %mul3A_42, %add3A_54 : i32
      %get3A_56 = arith.index_cast %add3A_55 : i32 to index
      %get3A_57 = tpu.vector_load %arg7[%get3A_56] {strides = array<i32>} : memref<1088xi32, #tpu.memory_space<vmem>>, vector<16xi32>,
      %swap3A_58 = arith.constant 32 : index
      %swap3A_59 = tpu.vector_load %arg9[%swap3A_58] {strides = array<i32>} : memref<64xi32, #tpu.memory_space<vmem>>, vector<16xi32>,
      tpu.vector_store %arg9[%swap3A_58], %get3A_57 {strides = array<i32>} : memref<64xi32, #tpu.memory_space<vmem>>, vector<16xi32>,
      %add3A_60 = arith.constant 48 : i32
      %add3A_61 = arith.addi %mul3A_42, %add3A_60 : i32
      %get3A_62 = arith.index_cast %add3A_61 : i32 to index
      %get3A_63 = tpu.vector_load %arg7[%get3A_62] {strides = array<i32>} : memref<1088xi32, #tpu.memory_space<vmem>>, vector<16xi32>,
      %swap3A_64 = arith.constant 48 : index
      %swap3A_65 = tpu.vector_load %arg9[%swap3A_64] {strides = array<i32>} : memref<64xi32, #tpu.memory_space<vmem>>, vector<16xi32>,
      tpu.vector_store %arg9[%swap3A_64], %get3A_63 {strides = array<i32>} : memref<64xi32, #tpu.memory_space<vmem>>, vector<16xi32>,
      %add3A_66 = arith.addi %scan3A_10, %mul3A_42 : i32
      %multiple_of3A_67 = tpu.assume_multiple %add3A_66, 8 : i32
      "tpu.region"() ({
        %run_scoped3A = tpu.sem_alloc : memref<!tpu.dma_semaphore, #tpu.memory_space<semaphore_mem>>
        %dma_start3A_73 = arith.constant 0 : i32
        %dma_start3A_74 = tpu.memref_slice %arg2[%multiple_of3A_67, %dma_start3A_73] : memref<32768x768xf32, #tpu.memory_space<hbm>> -> memref<64x768xf32, #tpu.memory_space<hbm>>
        %dma_start3A_75 = arith.constant 0 : i32
        %dma_start3A_76 = tpu.memref_slice %arg2[%multiple_of3A_67, %dma_start3A_75] : memref<32768x768xf32, #tpu.memory_space<hbm>> -> memref<64x768xf32, #tpu.memory_space<hbm>>
        tpu.enqueue_dma source(%dma_start3A_76 : memref<64x768xf32, #tpu.memory_space<hbm>>) target(%arg10 : memref<64x768xf32, #tpu.memory_space<vmem>>) target_semaphore(%run_scoped3A : memref<!tpu.dma_semaphore, #tpu.memory_space<semaphore_mem>>)
        %dma_wait3A_77 = arith.constant 0 : i32
        %dma_wait3A_78 = tpu.memref_slice %arg2[%multiple_of3A_67, %dma_wait3A_77] : memref<32768x768xf32, #tpu.memory_space<hbm>> -> memref<64x768xf32, #tpu.memory_space<hbm>>
        %dma_wait3A_79 = arith.constant 0 : i32
        %dma_wait3A_80 = tpu.memref_slice %arg2[%multiple_of3A_67, %dma_wait3A_79] : memref<32768x768xf32, #tpu.memory_space<hbm>> -> memref<64x768xf32, #tpu.memory_space<hbm>>
        tpu.wait_dma2 semaphore(%run_scoped3A : memref<!tpu.dma_semaphore, #tpu.memory_space<semaphore_mem>>) src(%dma_wait3A_80 : memref<64x768xf32, #tpu.memory_space<hbm>>) dst(%arg10 : memref<64x768xf32, #tpu.memory_space<vmem>>)
        tpu.yield
      }) : () -> ()
      %dma_start3A = arith.constant 0 : i32
      %dma_start3A_68 = arith.constant 0 : i32
      %dma_start3A_69 = tpu.memref_slice %arg5[%dma_start3A, %dma_start3A_68] : memref<32768x768xf32, #tpu.memory_space<hbm>> -> memref<32768x768xf32, #tpu.memory_space<hbm>>
      tpu.enqueue_indirect_dma source(%arg10 : memref<64x768xf32, #tpu.memory_space<vmem>>) target(%dma_start3A_69 : memref<32768x768xf32, #tpu.memory_space<hbm>>) offsets(%arg9 : memref<64xi32, #tpu.memory_space<vmem>>) semaphore(%arg11 : memref<!tpu.dma_semaphore, #tpu.memory_space<semaphore_mem>>)
      %dma_wait3A = arith.constant 0 : i32
      %dma_wait3A_70 = arith.constant 0 : i32
      %dma_wait3A_71 = tpu.memref_slice %arg5[%dma_wait3A, %dma_wait3A_70] : memref<32768x768xf32, #tpu.memory_space<hbm>> -> memref<32768x768xf32, #tpu.memory_space<hbm>>
      tpu.wait_indirect_dma semaphore(%arg11 : memref<!tpu.dma_semaphore, #tpu.memory_space<semaphore_mem>>) src(%arg10 : memref<64x768xf32, #tpu.memory_space<vmem>>) dst(%dma_wait3A_71 : memref<32768x768xf32, #tpu.memory_space<hbm>>)
      %while3A_72 = arith.constant 0 : i32
      scf.yield %while3A_72 : i32
    }
    %while3A_37 = arith.constant 1 : i32
    %while3A_38 = scf.for %while3A_39 = %while3A_34 to %while3A_30 step %while3A_37 iter_args(%while3A_40 = %while3A_36) -> (i32)  : i32 {
      %mul3A_41 = arith.constant 64 : i32
      %mul3A_42 = arith.muli %while3A_39, %mul3A_41 : i32
      %add3A_43 = arith.constant 0 : i32
      %add3A_44 = arith.addi %mul3A_42, %add3A_43 : i32
      %get3A_45 = arith.index_cast %add3A_44 : i32 to index
      %get3A_46 = tpu.vector_load %arg7[%get3A_45] {strides = array<i32>} : memref<1088xi32, #tpu.memory_space<vmem>>, vector<16xi32>,
      %swap3A = arith.constant 0 : index
      %swap3A_47 = tpu.vector_load %arg9[%swap3A] {strides = array<i32>} : memref<64xi32, #tpu.memory_space<vmem>>, vector<16xi32>,
      tpu.vector_store %arg9[%swap3A], %get3A_46 {strides = array<i32>} : memref<64xi32, #tpu.memory_space<vmem>>, vector<16xi32>,
      %add3A_48 = arith.constant 16 : i32
      %add3A_49 = arith.addi %mul3A_42, %add3A_48 : i32
      %get3A_50 = arith.index_cast %add3A_49 : i32 to index
      %get3A_51 = tpu.vector_load %arg7[%get3A_50] {strides = array<i32>} : memref<1088xi32, #tpu.memory_space<vmem>>, vector<16xi32>,
      %swap3A_52 = arith.constant 16 : index
      %swap3A_53 = tpu.vector_load %arg9[%swap3A_52] {strides = array<i32>} : memref<64xi32, #tpu.memory_space<vmem>>, vector<16xi32>,
      tpu.vector_store %arg9[%swap3A_52], %get3A_51 {strides = array<i32>} : memref<64xi32, #tpu.memory_space<vmem>>, vector<16xi32>,
      %add3A_54 = arith.constant 32 : i32
      %add3A_55 = arith.addi %mul3A_42, %add3A_54 : i32
      %get3A_56 = arith.index_cast %add3A_55 : i32 to index
      %get3A_57 = tpu.vector_load %arg7[%get3A_56] {strides = array<i32>} : memref<1088xi32, #tpu.memory_space<vmem>>, vector<16xi32>,
      %swap3A_58 = arith.constant 32 : index
      %swap3A_59 = tpu.vector_load %arg9[%swap3A_58] {strides = array<i32>} : memref<64xi32, #tpu.memory_space<vmem>>, vector<16xi32>,
      tpu.vector_store %arg9[%swap3A_58], %get3A_57 {strides = array<i32>} : memref<64xi32, #tpu.memory_space<vmem>>, vector<16xi32>,
      %add3A_60 = arith.constant 48 : i32
      %add3A_61 = arith.addi %mul3A_42, %add3A_60 : i32
      %get3A_62 = arith.index_cast %add3A_61 : i32 to index
      %get3A_63 = tpu.vector_load %arg7[%get3A_62] {strides = array<i32>} : memref<1088xi32, #tpu.memory_space<vmem>>, vector<16xi32>,
      %swap3A_64 = arith.constant 48 : index
      %swap3A_65 = tpu.vector_load %arg9[%swap3A_64] {strides = array<i32>} : memref<64xi32, #tpu.memory_space<vmem>>, vector<16xi32>,
      tpu.vector_store %arg9[%swap3A_64], %get3A_63 {strides = array<i32>} : memref<64xi32, #tpu.memory_space<vmem>>, vector<16xi32>,
      %add3A_66 = arith.addi %scan3A_10, %mul3A_42 : i32
      %multiple_of3A_67 = tpu.assume_multiple %add3A_66, 8 : i32
      "tpu.region"() ({
        %run_scoped3A = tpu.sem_alloc : memref<!tpu.dma_semaphore, #tpu.memory_space<semaphore_mem>>
        %dma_start3A_73 = arith.constant 0 : i32
        %dma_start3A_74 = tpu.memref_slice %arg2[%multiple_of3A_67, %dma_start3A_73] : memref<32768x768xf32, #tpu.memory_space<hbm>> -> memref<64x768xf32, #tpu.memory_space<hbm>>
        %dma_start3A_75 = arith.constant 0 : i32
        %dma_start3A_76 = tpu.memref_slice %arg2[%multiple_of3A_67, %dma_start3A_75] : memref<32768x768xf32, #tpu.memory_space<hbm>> -> memref<64x768xf32, #tpu.memory_space<hbm>>
        tpu.enqueue_dma source(%dma_start3A_76 : memref<64x768xf32, #tpu.memory_space<hbm>>) target(%arg10 : memref<64x768xf32, #tpu.memory_space<vmem>>) target_semaphore(%run_scoped3A : memref<!tpu.dma_semaphore, #tpu.memory_space<semaphore_mem>>)
        %dma_wait3A_77 = arith.constant 0 : i32
        %dma_wait3A_78 = tpu.memref_slice %arg2[%multiple_of3A_67, %dma_wait3A_77] : memref<32768x768xf32, #tpu.memory_space<hbm>> -> memref<64x768xf32, #tpu.memory_space<hbm>>
        %dma_wait3A_79 = arith.constant 0 : i32
        %dma_wait3A_80 = tpu.memref_slice %arg2[%multiple_of3A_67, %dma_wait3A_79] : memref<32768x768xf32, #tpu.memory_space<hbm>> -> memref<64x768xf32, #tpu.memory_space<hbm>>
        tpu.wait_dma2 semaphore(%run_scoped3A : memref<!tpu.dma_semaphore, #tpu.memory_space<semaphore_mem>>) src(%dma_wait3A_80 : memref<64x768xf32, #tpu.memory_space<hbm>>) dst(%arg10 : memref<64x768xf32, #tpu.memory_space<vmem>>)
        tpu.yield
      }) : () -> ()
      %dma_start3A = arith.constant 0 : i32
      %dma_start3A_68 = arith.constant 0 : i32
      %dma_start3A_69 = tpu.memref_slice %arg5[%dma_start3A, %dma_start3A_68] : memref<32768x768xf32, #tpu.memory_space<hbm>> -> memref<32768x768xf32, #tpu.memory_space<hbm>>
      tpu.enqueue_indirect_dma source(%arg10 : memref<64x768xf32, #tpu.memory_space<vmem>>) target(%dma_start3A_69 : memref<32768x768xf32, #tpu.memory_space<hbm>>) offsets(%arg9 : memref<64xi32, #tpu.memory_space<vmem>>) semaphore(%arg11 : memref<!tpu.dma_semaphore, #tpu.memory_space<semaphore_mem>>)
      %dma_wait3A = arith.constant 0 : i32
      %dma_wait3A_70 = arith.constant 0 : i32
      %dma_wait3A_71 = tpu.memref_slice %arg5[%dma_wait3A, %dma_wait3A_70] : memref<32768x768xf32, #tpu.memory_space<hbm>> -> memref<32768x768xf32, #tpu.memory_space<hbm>>
      tpu.wait_indirect_dma semaphore(%arg11 : memref<!tpu.dma_semaphore, #tpu.memory_space<semaphore_mem>>) src(%arg10 : memref<64x768xf32, #tpu.memory_space<vmem>>) dst(%dma_wait3A_71 : memref<32768x768xf32, #tpu.memory_space<hbm>>)
      %while3A_72 = arith.constant 0 : i32
      scf.yield %while3A_72 : i32
    }
    return
  }
}

#map = affine_map<(d0, d1) -> (0, 0)>
#map1 = affine_map<(d0, d1) -> (0)>
module attributes {stable_mosaic.version = 14 : i64} {
  func.func @_gather(%arg0: i32, %arg1: i32, %arg2: memref<32768x768xf32, #tpu.memory_space<hbm>>, %arg3: memref<34816xi32, #tpu.memory_space<hbm>>, %arg4: memref<34816xf32, #tpu.memory_space<hbm>>, %arg5: memref<512xi32, #tpu.memory_space<hbm>>, %arg6: memref<32768x768xf32, #tpu.memory_space<hbm>>, %arg7: memref<32768xf32, #tpu.memory_space<hbm>>, %arg8: memref<1088xi32, #tpu.memory_space<vmem>>, %arg9: memref<1088xf32, #tpu.memory_space<vmem>>, %arg10: memref<512xi32, #tpu.memory_space<vmem>>, %arg11: memref<64xi32, #tpu.memory_space<vmem>>, %arg12: memref<64x768xf32, #tpu.memory_space<vmem>>, %arg13: memref<!tpu.dma_semaphore, #tpu.memory_space<semaphore_mem>>) attributes {dimension_semantics = [#tpu.dimension_semantics<core_parallel>, #tpu.dimension_semantics<subcore_parallel>], iteration_bounds = array<i64: 2, 16>, scalar_prefetch = 0 : i64, scratch_operands = 6 : i64, tpu.core_type = #tpu.core_type<sc_vector_subcore>, window_params = [{transform_indices = #map}, {transform_indices = #map1}, {transform_indices = #map1}, {transform_indices = #map1}, {transform_indices = #map}, {transform_indices = #map1}]} {
    %mul3A = arith.constant 2 : i32
    %mul3A_0 = arith.muli %arg1, %mul3A : i32
    %add3A = arith.addi %mul3A_0, %arg0 : i32
    "tpu.region"() ({
      %run_scoped3A = tpu.sem_alloc : memref<!tpu.dma_semaphore, #tpu.memory_space<semaphore_mem>>
      tpu.enqueue_dma source(%arg5 : memref<512xi32, #tpu.memory_space<hbm>>) target(%arg10 : memref<512xi32, #tpu.memory_space<vmem>>) target_semaphore(%run_scoped3A : memref<!tpu.dma_semaphore, #tpu.memory_space<semaphore_mem>>)
      tpu.wait_dma2 semaphore(%run_scoped3A : memref<!tpu.dma_semaphore, #tpu.memory_space<semaphore_mem>>) src(%arg5 : memref<512xi32, #tpu.memory_space<hbm>>) dst(%arg10 : memref<512xi32, #tpu.memory_space<vmem>>)
      tpu.yield
    }) : () -> ()
    %mul3A_1 = arith.constant 1088 : i32
    %mul3A_2 = arith.muli %add3A, %mul3A_1 : i32
    %multiple_of3A = tpu.assume_multiple %mul3A_2, 8 : i32
    "tpu.region"() ({
      %run_scoped3A = tpu.sem_alloc : memref<!tpu.dma_semaphore, #tpu.memory_space<semaphore_mem>>
      %dma_start3A = tpu.memref_slice %arg3[%multiple_of3A] : memref<34816xi32, #tpu.memory_space<hbm>> -> memref<1088xi32, #tpu.memory_space<hbm>>
      %dma_start3A_42 = tpu.memref_slice %arg3[%multiple_of3A] : memref<34816xi32, #tpu.memory_space<hbm>> -> memref<1088xi32, #tpu.memory_space<hbm>>
      tpu.enqueue_dma source(%dma_start3A_42 : memref<1088xi32, #tpu.memory_space<hbm>>) target(%arg8 : memref<1088xi32, #tpu.memory_space<vmem>>) target_semaphore(%run_scoped3A : memref<!tpu.dma_semaphore, #tpu.memory_space<semaphore_mem>>)
      %dma_wait3A = tpu.memref_slice %arg3[%multiple_of3A] : memref<34816xi32, #tpu.memory_space<hbm>> -> memref<1088xi32, #tpu.memory_space<hbm>>
      %dma_wait3A_43 = tpu.memref_slice %arg3[%multiple_of3A] : memref<34816xi32, #tpu.memory_space<hbm>> -> memref<1088xi32, #tpu.memory_space<hbm>>
      tpu.wait_dma2 semaphore(%run_scoped3A : memref<!tpu.dma_semaphore, #tpu.memory_space<semaphore_mem>>) src(%dma_wait3A_43 : memref<1088xi32, #tpu.memory_space<hbm>>) dst(%arg8 : memref<1088xi32, #tpu.memory_space<vmem>>)
      tpu.yield
    }) : () -> ()
    %mul3A_3 = arith.constant 1088 : i32
    %mul3A_4 = arith.muli %add3A, %mul3A_3 : i32
    %multiple_of3A_5 = tpu.assume_multiple %mul3A_4, 8 : i32
    "tpu.region"() ({
      %run_scoped3A = tpu.sem_alloc : memref<!tpu.dma_semaphore, #tpu.memory_space<semaphore_mem>>
      %dma_start3A = tpu.memref_slice %arg4[%multiple_of3A_5] : memref<34816xf32, #tpu.memory_space<hbm>> -> memref<1088xf32, #tpu.memory_space<hbm>>
      %dma_start3A_42 = tpu.memref_slice %arg4[%multiple_of3A_5] : memref<34816xf32, #tpu.memory_space<hbm>> -> memref<1088xf32, #tpu.memory_space<hbm>>
      tpu.enqueue_dma source(%dma_start3A_42 : memref<1088xf32, #tpu.memory_space<hbm>>) target(%arg9 : memref<1088xf32, #tpu.memory_space<vmem>>) target_semaphore(%run_scoped3A : memref<!tpu.dma_semaphore, #tpu.memory_space<semaphore_mem>>)
      %dma_wait3A = tpu.memref_slice %arg4[%multiple_of3A_5] : memref<34816xf32, #tpu.memory_space<hbm>> -> memref<1088xf32, #tpu.memory_space<hbm>>
      %dma_wait3A_43 = tpu.memref_slice %arg4[%multiple_of3A_5] : memref<34816xf32, #tpu.memory_space<hbm>> -> memref<1088xf32, #tpu.memory_space<hbm>>
      tpu.wait_dma2 semaphore(%run_scoped3A : memref<!tpu.dma_semaphore, #tpu.memory_space<semaphore_mem>>) src(%dma_wait3A_43 : memref<1088xf32, #tpu.memory_space<hbm>>) dst(%arg9 : memref<1088xf32, #tpu.memory_space<vmem>>)
      tpu.yield
    }) : () -> ()
    %mul3A_6 = arith.constant 16 : i32
    %mul3A_7 = arith.muli %add3A, %mul3A_6 : i32
    %get3A = arith.index_cast %mul3A_7 : i32 to index
    %get3A_8 = tpu.vector_load %arg10[%get3A] {strides = array<i32>} : memref<512xi32, #tpu.memory_space<vmem>>, vector<16xi32>,
    %slice3A = vector.extract_strided_slice %get3A_8 {offsets = [1], sizes = [1], strides = [1]} : vector<16xi32> to vector<1xi32>
    %squeeze3A = vector.extract %slice3A[0] : i32 from vector<1xi32>
    %scan3A = arith.constant 0 : i32
    %scan3A_9 = arith.constant 0 : i32
    %scan3A_10 = arith.constant 32 : i32
    %scan3A_11 = arith.addi %scan3A_9, %scan3A_10 : i32
    %scan3A_12 = arith.constant 1 : i32
    %scan3A_13 = scf.for %scan3A_42 = %scan3A_9 to %scan3A_11 step %scan3A_12 iter_args(%scan3A_43 = %scan3A) -> (i32)  : i32 {
      %lt3A = arith.cmpi slt, %scan3A_42, %add3A : i32
      %mul3A_44 = arith.constant 16 : i32
      %mul3A_45 = arith.muli %scan3A_42, %mul3A_44 : i32
      %get3A_46 = arith.index_cast %mul3A_45 : i32 to index
      %get3A_47 = tpu.vector_load %arg10[%get3A_46] {strides = array<i32>} : memref<512xi32, #tpu.memory_space<vmem>>, vector<16xi32>,
      %slice3A_48 = vector.extract_strided_slice %get3A_47 {offsets = [1], sizes = [1], strides = [1]} : vector<16xi32> to vector<1xi32>
      %squeeze3A_49 = vector.extract %slice3A_48[0] : i32 from vector<1xi32>
      %jit3A_50 = arith.constant 0 : i32
      %select_n3A_51 = arith.select %lt3A, %squeeze3A_49, %jit3A_50 : i32
      %add3A_52 = arith.addi %scan3A_43, %select_n3A_51 : i32
      scf.yield %add3A_52 : i32
    }
    %scan3A_14 = arith.constant 32 : i32
    %jit3A = arith.constant 64 : i32
    %div3A = arith.divsi %squeeze3A, %jit3A : i32
    %sign3A = arith.constant 0 : i32
    %sign3A_15 = arith.cmpi sgt, %squeeze3A, %sign3A : i32
    %sign3A_16 = arith.extui %sign3A_15 : i1 to i32
    %sign3A_17 = arith.constant 0 : i32
    %sign3A_18 = arith.cmpi slt, %squeeze3A, %sign3A_17 : i32
    %sign3A_19 = arith.extui %sign3A_18 : i1 to i32
    %sign3A_20 = arith.subi %sign3A_16, %sign3A_19 : i32
    %sign3A_21 = arith.constant 0 : i32
    %sign3A_22 = arith.cmpi sgt, %jit3A, %sign3A_21 : i32
    %sign3A_23 = arith.extui %sign3A_22 : i1 to i32
    %sign3A_24 = arith.constant 0 : i32
    %sign3A_25 = arith.cmpi slt, %jit3A, %sign3A_24 : i32
    %sign3A_26 = arith.extui %sign3A_25 : i1 to i32
    %sign3A_27 = arith.subi %sign3A_23, %sign3A_26 : i32
    %ne3A = arith.cmpi ne, %sign3A_20, %sign3A_27 : i32
    %rem3A = arith.remsi %squeeze3A, %jit3A : i32
    %ne3A_28 = arith.constant 0 : i32
    %ne3A_29 = arith.cmpi ne, %rem3A, %ne3A_28 : i32
    %and3A = arith.andi %ne3A, %ne3A_29 : i1
    %sub3A = arith.constant 1 : i32
    %sub3A_30 = arith.subi %div3A, %sub3A : i32
    %select_n3A = arith.select %and3A, %sub3A_30, %div3A : i32
    %while3A = arith.constant 0 : i32
    %while3A_31 = arith.constant 0 : i32
    %while3A_32 = arith.subi %select_n3A, %while3A : i32
    %while3A_33 = arith.addi %while3A, %while3A_32 : i32
    %while3A_34 = arith.constant 1 : i32
    %while3A_35 = arith.divsi %while3A_32, %while3A_34 : i32
    %while3A_36 = arith.muli %while3A_35, %while3A_34 : i32
    %while3A_37 = arith.addi %while3A, %while3A_36 : i32
    %while3A_38 = arith.constant 1 : i32
    %while3A_39 = scf.for %while3A_42 = %while3A to %while3A_37 step %while3A_38 iter_args(%while3A_43 = %while3A_31) -> (i32)  : i32 {
      %mul3A_44 = arith.constant 64 : i32
      %mul3A_45 = arith.muli %while3A_42, %mul3A_44 : i32
      %add3A_46 = arith.constant 0 : i32
      %add3A_47 = arith.addi %mul3A_45, %add3A_46 : i32
      %get3A_48 = arith.index_cast %add3A_47 : i32 to index
      %get3A_49 = tpu.vector_load %arg8[%get3A_48] {strides = array<i32>} : memref<1088xi32, #tpu.memory_space<vmem>>, vector<16xi32>,
      %swap3A = arith.constant 0 : index
      %swap3A_50 = tpu.vector_load %arg11[%swap3A] {strides = array<i32>} : memref<64xi32, #tpu.memory_space<vmem>>, vector<16xi32>,
      tpu.vector_store %arg11[%swap3A], %get3A_49 {strides = array<i32>} : memref<64xi32, #tpu.memory_space<vmem>>, vector<16xi32>,
      %add3A_51 = arith.constant 16 : i32
      %add3A_52 = arith.addi %mul3A_45, %add3A_51 : i32
      %get3A_53 = arith.index_cast %add3A_52 : i32 to index
      %get3A_54 = tpu.vector_load %arg8[%get3A_53] {strides = array<i32>} : memref<1088xi32, #tpu.memory_space<vmem>>, vector<16xi32>,
      %swap3A_55 = arith.constant 16 : index
      %swap3A_56 = tpu.vector_load %arg11[%swap3A_55] {strides = array<i32>} : memref<64xi32, #tpu.memory_space<vmem>>, vector<16xi32>,
      tpu.vector_store %arg11[%swap3A_55], %get3A_54 {strides = array<i32>} : memref<64xi32, #tpu.memory_space<vmem>>, vector<16xi32>,
      %add3A_57 = arith.constant 32 : i32
      %add3A_58 = arith.addi %mul3A_45, %add3A_57 : i32
      %get3A_59 = arith.index_cast %add3A_58 : i32 to index
      %get3A_60 = tpu.vector_load %arg8[%get3A_59] {strides = array<i32>} : memref<1088xi32, #tpu.memory_space<vmem>>, vector<16xi32>,
      %swap3A_61 = arith.constant 32 : index
      %swap3A_62 = tpu.vector_load %arg11[%swap3A_61] {strides = array<i32>} : memref<64xi32, #tpu.memory_space<vmem>>, vector<16xi32>,
      tpu.vector_store %arg11[%swap3A_61], %get3A_60 {strides = array<i32>} : memref<64xi32, #tpu.memory_space<vmem>>, vector<16xi32>,
      %add3A_63 = arith.constant 48 : i32
      %add3A_64 = arith.addi %mul3A_45, %add3A_63 : i32
      %get3A_65 = arith.index_cast %add3A_64 : i32 to index
      %get3A_66 = tpu.vector_load %arg8[%get3A_65] {strides = array<i32>} : memref<1088xi32, #tpu.memory_space<vmem>>, vector<16xi32>,
      %swap3A_67 = arith.constant 48 : index
      %swap3A_68 = tpu.vector_load %arg11[%swap3A_67] {strides = array<i32>} : memref<64xi32, #tpu.memory_space<vmem>>, vector<16xi32>,
      tpu.vector_store %arg11[%swap3A_67], %get3A_66 {strides = array<i32>} : memref<64xi32, #tpu.memory_space<vmem>>, vector<16xi32>,
      %dma_start3A = arith.constant 0 : i32
      %dma_start3A_69 = arith.constant 0 : i32
      %dma_start3A_70 = tpu.memref_slice %arg2[%dma_start3A, %dma_start3A_69] : memref<32768x768xf32, #tpu.memory_space<hbm>> -> memref<32768x768xf32, #tpu.memory_space<hbm>>
      tpu.enqueue_indirect_dma source(%dma_start3A_70 : memref<32768x768xf32, #tpu.memory_space<hbm>>) target(%arg12 : memref<64x768xf32, #tpu.memory_space<vmem>>) offsets(%arg11 : memref<64xi32, #tpu.memory_space<vmem>>) semaphore(%arg13 : memref<!tpu.dma_semaphore, #tpu.memory_space<semaphore_mem>>)
      %dma_wait3A = arith.constant 0 : i32
      %dma_wait3A_71 = arith.constant 0 : i32
      %dma_wait3A_72 = tpu.memref_slice %arg2[%dma_wait3A, %dma_wait3A_71] : memref<32768x768xf32, #tpu.memory_space<hbm>> -> memref<32768x768xf32, #tpu.memory_space<hbm>>
      tpu.wait_indirect_dma semaphore(%arg13 : memref<!tpu.dma_semaphore, #tpu.memory_space<semaphore_mem>>) src(%dma_wait3A_72 : memref<32768x768xf32, #tpu.memory_space<hbm>>) dst(%arg12 : memref<64x768xf32, #tpu.memory_space<vmem>>)
      %add3A_73 = arith.addi %scan3A_13, %mul3A_45 : i32
      %multiple_of3A_74 = tpu.assume_multiple %add3A_73, 8 : i32
      "tpu.region"() ({
        %run_scoped3A = tpu.sem_alloc : memref<!tpu.dma_semaphore, #tpu.memory_space<semaphore_mem>>
        %dma_start3A_78 = arith.constant 0 : i32
        %dma_start3A_79 = tpu.memref_slice %arg6[%multiple_of3A_74, %dma_start3A_78] : memref<32768x768xf32, #tpu.memory_space<hbm>> -> memref<64x768xf32, #tpu.memory_space<hbm>>
        %dma_start3A_80 = arith.constant 0 : i32
        %dma_start3A_81 = tpu.memref_slice %arg6[%multiple_of3A_74, %dma_start3A_80] : memref<32768x768xf32, #tpu.memory_space<hbm>> -> memref<64x768xf32, #tpu.memory_space<hbm>>
        tpu.enqueue_dma source(%arg12 : memref<64x768xf32, #tpu.memory_space<vmem>>) target(%dma_start3A_81 : memref<64x768xf32, #tpu.memory_space<hbm>>) target_semaphore(%run_scoped3A : memref<!tpu.dma_semaphore, #tpu.memory_space<semaphore_mem>>)
        %dma_wait3A_82 = arith.constant 0 : i32
        %dma_wait3A_83 = tpu.memref_slice %arg6[%multiple_of3A_74, %dma_wait3A_82] : memref<32768x768xf32, #tpu.memory_space<hbm>> -> memref<64x768xf32, #tpu.memory_space<hbm>>
        %dma_wait3A_84 = arith.constant 0 : i32
        %dma_wait3A_85 = tpu.memref_slice %arg6[%multiple_of3A_74, %dma_wait3A_84] : memref<32768x768xf32, #tpu.memory_space<hbm>> -> memref<64x768xf32, #tpu.memory_space<hbm>>
        tpu.wait_dma2 semaphore(%run_scoped3A : memref<!tpu.dma_semaphore, #tpu.memory_space<semaphore_mem>>) src(%arg12 : memref<64x768xf32, #tpu.memory_space<vmem>>) dst(%dma_wait3A_85 : memref<64x768xf32, #tpu.memory_space<hbm>>)
        tpu.yield
      }) : () -> ()
      %add3A_75 = arith.addi %scan3A_13, %mul3A_45 : i32
      %multiple_of3A_76 = tpu.assume_multiple %add3A_75, 8 : i32
      "tpu.region"() ({
        %run_scoped3A = tpu.sem_alloc : memref<!tpu.dma_semaphore, #tpu.memory_space<semaphore_mem>>
        %dma_start3A_78 = tpu.memref_slice %arg9[%mul3A_45] : memref<1088xf32, #tpu.memory_space<vmem>> -> memref<64xf32, #tpu.memory_space<vmem>>
        %dma_start3A_79 = tpu.memref_slice %arg7[%multiple_of3A_76] : memref<32768xf32, #tpu.memory_space<hbm>> -> memref<64xf32, #tpu.memory_space<hbm>>
        %dma_start3A_80 = tpu.memref_slice %arg7[%multiple_of3A_76] : memref<32768xf32, #tpu.memory_space<hbm>> -> memref<64xf32, #tpu.memory_space<hbm>>
        %dma_start3A_81 = tpu.memref_slice %arg9[%mul3A_45] : memref<1088xf32, #tpu.memory_space<vmem>> -> memref<64xf32, #tpu.memory_space<vmem>>
        tpu.enqueue_dma source(%dma_start3A_81 : memref<64xf32, #tpu.memory_space<vmem>>) target(%dma_start3A_80 : memref<64xf32, #tpu.memory_space<hbm>>) target_semaphore(%run_scoped3A : memref<!tpu.dma_semaphore, #tpu.memory_space<semaphore_mem>>)
        %dma_wait3A_82 = tpu.memref_slice %arg9[%mul3A_45] : memref<1088xf32, #tpu.memory_space<vmem>> -> memref<64xf32, #tpu.memory_space<vmem>>
        %dma_wait3A_83 = tpu.memref_slice %arg7[%multiple_of3A_76] : memref<32768xf32, #tpu.memory_space<hbm>> -> memref<64xf32, #tpu.memory_space<hbm>>
        %dma_wait3A_84 = tpu.memref_slice %arg7[%multiple_of3A_76] : memref<32768xf32, #tpu.memory_space<hbm>> -> memref<64xf32, #tpu.memory_space<hbm>>
        %dma_wait3A_85 = tpu.memref_slice %arg9[%mul3A_45] : memref<1088xf32, #tpu.memory_space<vmem>> -> memref<64xf32, #tpu.memory_space<vmem>>
        tpu.wait_dma2 semaphore(%run_scoped3A : memref<!tpu.dma_semaphore, #tpu.memory_space<semaphore_mem>>) src(%dma_wait3A_85 : memref<64xf32, #tpu.memory_space<vmem>>) dst(%dma_wait3A_84 : memref<64xf32, #tpu.memory_space<hbm>>)
        tpu.yield
      }) : () -> ()
      %while3A_77 = arith.constant 0 : i32
      scf.yield %while3A_77 : i32
    }
    %while3A_40 = arith.constant 1 : i32
    %while3A_41 = scf.for %while3A_42 = %while3A_37 to %while3A_33 step %while3A_40 iter_args(%while3A_43 = %while3A_39) -> (i32)  : i32 {
      %mul3A_44 = arith.constant 64 : i32
      %mul3A_45 = arith.muli %while3A_42, %mul3A_44 : i32
      %add3A_46 = arith.constant 0 : i32
      %add3A_47 = arith.addi %mul3A_45, %add3A_46 : i32
      %get3A_48 = arith.index_cast %add3A_47 : i32 to index
      %get3A_49 = tpu.vector_load %arg8[%get3A_48] {strides = array<i32>} : memref<1088xi32, #tpu.memory_space<vmem>>, vector<16xi32>,
      %swap3A = arith.constant 0 : index
      %swap3A_50 = tpu.vector_load %arg11[%swap3A] {strides = array<i32>} : memref<64xi32, #tpu.memory_space<vmem>>, vector<16xi32>,
      tpu.vector_store %arg11[%swap3A], %get3A_49 {strides = array<i32>} : memref<64xi32, #tpu.memory_space<vmem>>, vector<16xi32>,
      %add3A_51 = arith.constant 16 : i32
      %add3A_52 = arith.addi %mul3A_45, %add3A_51 : i32
      %get3A_53 = arith.index_cast %add3A_52 : i32 to index
      %get3A_54 = tpu.vector_load %arg8[%get3A_53] {strides = array<i32>} : memref<1088xi32, #tpu.memory_space<vmem>>, vector<16xi32>,
      %swap3A_55 = arith.constant 16 : index
      %swap3A_56 = tpu.vector_load %arg11[%swap3A_55] {strides = array<i32>} : memref<64xi32, #tpu.memory_space<vmem>>, vector<16xi32>,
      tpu.vector_store %arg11[%swap3A_55], %get3A_54 {strides = array<i32>} : memref<64xi32, #tpu.memory_space<vmem>>, vector<16xi32>,
      %add3A_57 = arith.constant 32 : i32
      %add3A_58 = arith.addi %mul3A_45, %add3A_57 : i32
      %get3A_59 = arith.index_cast %add3A_58 : i32 to index
      %get3A_60 = tpu.vector_load %arg8[%get3A_59] {strides = array<i32>} : memref<1088xi32, #tpu.memory_space<vmem>>, vector<16xi32>,
      %swap3A_61 = arith.constant 32 : index
      %swap3A_62 = tpu.vector_load %arg11[%swap3A_61] {strides = array<i32>} : memref<64xi32, #tpu.memory_space<vmem>>, vector<16xi32>,
      tpu.vector_store %arg11[%swap3A_61], %get3A_60 {strides = array<i32>} : memref<64xi32, #tpu.memory_space<vmem>>, vector<16xi32>,
      %add3A_63 = arith.constant 48 : i32
      %add3A_64 = arith.addi %mul3A_45, %add3A_63 : i32
      %get3A_65 = arith.index_cast %add3A_64 : i32 to index
      %get3A_66 = tpu.vector_load %arg8[%get3A_65] {strides = array<i32>} : memref<1088xi32, #tpu.memory_space<vmem>>, vector<16xi32>,
      %swap3A_67 = arith.constant 48 : index
      %swap3A_68 = tpu.vector_load %arg11[%swap3A_67] {strides = array<i32>} : memref<64xi32, #tpu.memory_space<vmem>>, vector<16xi32>,
      tpu.vector_store %arg11[%swap3A_67], %get3A_66 {strides = array<i32>} : memref<64xi32, #tpu.memory_space<vmem>>, vector<16xi32>,
      %dma_start3A = arith.constant 0 : i32
      %dma_start3A_69 = arith.constant 0 : i32
      %dma_start3A_70 = tpu.memref_slice %arg2[%dma_start3A, %dma_start3A_69] : memref<32768x768xf32, #tpu.memory_space<hbm>> -> memref<32768x768xf32, #tpu.memory_space<hbm>>
      tpu.enqueue_indirect_dma source(%dma_start3A_70 : memref<32768x768xf32, #tpu.memory_space<hbm>>) target(%arg12 : memref<64x768xf32, #tpu.memory_space<vmem>>) offsets(%arg11 : memref<64xi32, #tpu.memory_space<vmem>>) semaphore(%arg13 : memref<!tpu.dma_semaphore, #tpu.memory_space<semaphore_mem>>)
      %dma_wait3A = arith.constant 0 : i32
      %dma_wait3A_71 = arith.constant 0 : i32
      %dma_wait3A_72 = tpu.memref_slice %arg2[%dma_wait3A, %dma_wait3A_71] : memref<32768x768xf32, #tpu.memory_space<hbm>> -> memref<32768x768xf32, #tpu.memory_space<hbm>>
      tpu.wait_indirect_dma semaphore(%arg13 : memref<!tpu.dma_semaphore, #tpu.memory_space<semaphore_mem>>) src(%dma_wait3A_72 : memref<32768x768xf32, #tpu.memory_space<hbm>>) dst(%arg12 : memref<64x768xf32, #tpu.memory_space<vmem>>)
      %add3A_73 = arith.addi %scan3A_13, %mul3A_45 : i32
      %multiple_of3A_74 = tpu.assume_multiple %add3A_73, 8 : i32
      "tpu.region"() ({
        %run_scoped3A = tpu.sem_alloc : memref<!tpu.dma_semaphore, #tpu.memory_space<semaphore_mem>>
        %dma_start3A_78 = arith.constant 0 : i32
        %dma_start3A_79 = tpu.memref_slice %arg6[%multiple_of3A_74, %dma_start3A_78] : memref<32768x768xf32, #tpu.memory_space<hbm>> -> memref<64x768xf32, #tpu.memory_space<hbm>>
        %dma_start3A_80 = arith.constant 0 : i32
        %dma_start3A_81 = tpu.memref_slice %arg6[%multiple_of3A_74, %dma_start3A_80] : memref<32768x768xf32, #tpu.memory_space<hbm>> -> memref<64x768xf32, #tpu.memory_space<hbm>>
        tpu.enqueue_dma source(%arg12 : memref<64x768xf32, #tpu.memory_space<vmem>>) target(%dma_start3A_81 : memref<64x768xf32, #tpu.memory_space<hbm>>) target_semaphore(%run_scoped3A : memref<!tpu.dma_semaphore, #tpu.memory_space<semaphore_mem>>)
        %dma_wait3A_82 = arith.constant 0 : i32
        %dma_wait3A_83 = tpu.memref_slice %arg6[%multiple_of3A_74, %dma_wait3A_82] : memref<32768x768xf32, #tpu.memory_space<hbm>> -> memref<64x768xf32, #tpu.memory_space<hbm>>
        %dma_wait3A_84 = arith.constant 0 : i32
        %dma_wait3A_85 = tpu.memref_slice %arg6[%multiple_of3A_74, %dma_wait3A_84] : memref<32768x768xf32, #tpu.memory_space<hbm>> -> memref<64x768xf32, #tpu.memory_space<hbm>>
        tpu.wait_dma2 semaphore(%run_scoped3A : memref<!tpu.dma_semaphore, #tpu.memory_space<semaphore_mem>>) src(%arg12 : memref<64x768xf32, #tpu.memory_space<vmem>>) dst(%dma_wait3A_85 : memref<64x768xf32, #tpu.memory_space<hbm>>)
        tpu.yield
      }) : () -> ()
      %add3A_75 = arith.addi %scan3A_13, %mul3A_45 : i32
      %multiple_of3A_76 = tpu.assume_multiple %add3A_75, 8 : i32
      "tpu.region"() ({
        %run_scoped3A = tpu.sem_alloc : memref<!tpu.dma_semaphore, #tpu.memory_space<semaphore_mem>>
        %dma_start3A_78 = tpu.memref_slice %arg9[%mul3A_45] : memref<1088xf32, #tpu.memory_space<vmem>> -> memref<64xf32, #tpu.memory_space<vmem>>
        %dma_start3A_79 = tpu.memref_slice %arg7[%multiple_of3A_76] : memref<32768xf32, #tpu.memory_space<hbm>> -> memref<64xf32, #tpu.memory_space<hbm>>
        %dma_start3A_80 = tpu.memref_slice %arg7[%multiple_of3A_76] : memref<32768xf32, #tpu.memory_space<hbm>> -> memref<64xf32, #tpu.memory_space<hbm>>
        %dma_start3A_81 = tpu.memref_slice %arg9[%mul3A_45] : memref<1088xf32, #tpu.memory_space<vmem>> -> memref<64xf32, #tpu.memory_space<vmem>>
        tpu.enqueue_dma source(%dma_start3A_81 : memref<64xf32, #tpu.memory_space<vmem>>) target(%dma_start3A_80 : memref<64xf32, #tpu.memory_space<hbm>>) target_semaphore(%run_scoped3A : memref<!tpu.dma_semaphore, #tpu.memory_space<semaphore_mem>>)
        %dma_wait3A_82 = tpu.memref_slice %arg9[%mul3A_45] : memref<1088xf32, #tpu.memory_space<vmem>> -> memref<64xf32, #tpu.memory_space<vmem>>
        %dma_wait3A_83 = tpu.memref_slice %arg7[%multiple_of3A_76] : memref<32768xf32, #tpu.memory_space<hbm>> -> memref<64xf32, #tpu.memory_space<hbm>>
        %dma_wait3A_84 = tpu.memref_slice %arg7[%multiple_of3A_76] : memref<32768xf32, #tpu.memory_space<hbm>> -> memref<64xf32, #tpu.memory_space<hbm>>
        %dma_wait3A_85 = tpu.memref_slice %arg9[%mul3A_45] : memref<1088xf32, #tpu.memory_space<vmem>> -> memref<64xf32, #tpu.memory_space<vmem>>
        tpu.wait_dma2 semaphore(%run_scoped3A : memref<!tpu.dma_semaphore, #tpu.memory_space<semaphore_mem>>) src(%dma_wait3A_85 : memref<64xf32, #tpu.memory_space<vmem>>) dst(%dma_wait3A_84 : memref<64xf32, #tpu.memory_space<hbm>>)
        tpu.yield
      }) : () -> ()
      %while3A_77 = arith.constant 0 : i32
      scf.yield %while3A_77 : i32
    }
    return
  }
}

#map = affine_map<(d0, d1) -> (0)>
module attributes {stable_mosaic.version = 14 : i64} {
  func.func @_compact(%arg0: i32, %arg1: i32, %arg2: memref<32768xf32, #tpu.memory_space<hbm>>, %arg3: memref<34816xi32, #tpu.memory_space<hbm>>, %arg4: memref<34816xf32, #tpu.memory_space<hbm>>, %arg5: memref<512xi32, #tpu.memory_space<hbm>>, %arg6: memref<1024xf32, #tpu.memory_space<vmem>>, %arg7: memref<1088xi32, #tpu.memory_space<vmem>>, %arg8: memref<1088xf32, #tpu.memory_space<vmem>>, %arg9: memref<16xi32, #tpu.memory_space<vmem>>) attributes {dimension_semantics = [#tpu.dimension_semantics<core_parallel>, #tpu.dimension_semantics<subcore_parallel>], iteration_bounds = array<i64: 2, 16>, scalar_prefetch = 0 : i64, scratch_operands = 4 : i64, tpu.core_type = #tpu.core_type<sc_vector_subcore>, window_params = [{transform_indices = #map}, {transform_indices = #map}, {transform_indices = #map}, {transform_indices = #map}]} {
    %mul3A = arith.constant 2 : i32
    %mul3A_0 = arith.muli %arg1, %mul3A : i32
    %add3A = arith.addi %mul3A_0, %arg0 : i32
    %mul3A_1 = arith.constant 1024 : i32
    %mul3A_2 = arith.muli %add3A, %mul3A_1 : i32
    %multiple_of3A = tpu.assume_multiple %mul3A_2, 8 : i32
    "tpu.region"() ({
      %run_scoped3A = tpu.sem_alloc : memref<!tpu.dma_semaphore, #tpu.memory_space<semaphore_mem>>
      %dma_start3A = tpu.memref_slice %arg2[%multiple_of3A] : memref<32768xf32, #tpu.memory_space<hbm>> -> memref<1024xf32, #tpu.memory_space<hbm>>
      %dma_start3A_97 = tpu.memref_slice %arg2[%multiple_of3A] : memref<32768xf32, #tpu.memory_space<hbm>> -> memref<1024xf32, #tpu.memory_space<hbm>>
      tpu.enqueue_dma source(%dma_start3A_97 : memref<1024xf32, #tpu.memory_space<hbm>>) target(%arg6 : memref<1024xf32, #tpu.memory_space<vmem>>) target_semaphore(%run_scoped3A : memref<!tpu.dma_semaphore, #tpu.memory_space<semaphore_mem>>)
      %dma_wait3A = tpu.memref_slice %arg2[%multiple_of3A] : memref<32768xf32, #tpu.memory_space<hbm>> -> memref<1024xf32, #tpu.memory_space<hbm>>
      %dma_wait3A_98 = tpu.memref_slice %arg2[%multiple_of3A] : memref<32768xf32, #tpu.memory_space<hbm>> -> memref<1024xf32, #tpu.memory_space<hbm>>
      tpu.wait_dma2 semaphore(%run_scoped3A : memref<!tpu.dma_semaphore, #tpu.memory_space<semaphore_mem>>) src(%dma_wait3A_98 : memref<1024xf32, #tpu.memory_space<hbm>>) dst(%arg6 : memref<1024xf32, #tpu.memory_space<vmem>>)
      tpu.yield
    }) : () -> ()
    %iota3A = tpu.iota {dimensions = array<i32: 0>} : vector<16xi32>
    %scan3A = arith.constant 0 : i32
    %scan3A_3 = arith.constant 0 : i32
    %scan3A_4 = arith.constant 64 : i32
    %scan3A_5 = arith.addi %scan3A_3, %scan3A_4 : i32
    %scan3A_6 = arith.constant 1 : i32
    %scan3A_7 = scf.for %scan3A_97 = %scan3A_3 to %scan3A_5 step %scan3A_6 iter_args(%scan3A_98 = %scan3A) -> (i32)  : i32 {
      %mul3A_99 = arith.constant 16 : i32
      %mul3A_100 = arith.muli %scan3A_97, %mul3A_99 : i32
      %get3A_101 = arith.index_cast %mul3A_100 : i32 to index
      %get3A_102 = tpu.vector_load %arg6[%get3A_101] {strides = array<i32>} : memref<1024xf32, #tpu.memory_space<vmem>>, vector<16xf32>,
      %gt3A = arith.constant 0.000000e+00 : f32
      %gt3A_103 = vector.broadcast %gt3A : f32 to vector<16xf32>
      %gt3A_104 = arith.cmpf ogt, %get3A_102, %gt3A_103 : vector<16xf32>
      %mul3A_105 = arith.constant 1024 : i32
      %mul3A_106 = arith.muli %add3A, %mul3A_105 : i32
      %mul3A_107 = arith.constant 16 : i32
      %mul3A_108 = arith.muli %scan3A_97, %mul3A_107 : i32
      %add3A_109 = arith.addi %mul3A_106, %mul3A_108 : i32
      %add3A_110 = vector.broadcast %add3A_109 : i32 to vector<16xi32>
      %add3A_111 = arith.addi %add3A_110, %iota3A : vector<16xi32>
      %convert_element_type3A = arith.extui %gt3A_104 : vector<16xi1> to vector<16xi32>
      %broadcast_in_dim3A_112 = arith.constant true
      %broadcast_in_dim3A_113 = vector.broadcast %broadcast_in_dim3A_112 : i1 to vector<16xi1>
      %masked_cumsum3A = tpu.scan <sum>, %convert_element_type3A masked %broadcast_in_dim3A_113 : vector<16xi32>, vector<16xi1> -> vector<16xi32>
      %add3A_114 = vector.broadcast %scan3A_98 : i32 to vector<16xi32>
      %add3A_115 = arith.addi %add3A_114, %masked_cumsum3A : vector<16xi32>
      %sub3A_116 = arith.constant 1 : i32
      %sub3A_117 = vector.broadcast %sub3A_116 : i32 to vector<16xi32>
      %sub3A_118 = arith.subi %add3A_115, %sub3A_117 : vector<16xi32>
      tpu.vector_store_idx %arg7[%sub3A_118], %add3A_111 masked %gt3A_104 : memref<1088xi32, #tpu.memory_space<vmem>>[vector<16xi32>], vector<16xi32>, vector<16xi1>
      tpu.vector_store_idx %arg8[%sub3A_118], %get3A_102 masked %gt3A_104 : memref<1088xf32, #tpu.memory_space<vmem>>[vector<16xi32>], vector<16xf32>, vector<16xi1>
      %convert_element_type3A_119 = arith.extui %gt3A_104 : vector<16xi1> to vector<16xi32>
      %reduce_sum3A = arith.constant true
      %reduce_sum3A_120 = vector.broadcast %reduce_sum3A : i1 to vector<16xi1>
      %reduce_sum3A_121 = tpu.scan <sum>, %convert_element_type3A_119 masked %reduce_sum3A_120 : vector<16xi32>, vector<16xi1> -> vector<16xi32>
      %reduce_sum3A_122 = vector.extract %reduce_sum3A_121[15] : i32 from vector<16xi32>
      %add3A_123 = arith.addi %scan3A_98, %reduce_sum3A_122 : i32
      scf.yield %add3A_123 : i32
    }
    %scan3A_8 = arith.constant 64 : i32
    %add3A_9 = arith.constant 64 : i32
    %add3A_10 = arith.addi %scan3A_7, %add3A_9 : i32
    %sub3A = arith.constant 1 : i32
    %sub3A_11 = arith.subi %add3A_10, %sub3A : i32
    %jit3A = arith.constant 64 : i32
    %div3A = arith.divsi %sub3A_11, %jit3A : i32
    %sign3A = arith.constant 0 : i32
    %sign3A_12 = arith.cmpi sgt, %sub3A_11, %sign3A : i32
    %sign3A_13 = arith.extui %sign3A_12 : i1 to i32
    %sign3A_14 = arith.constant 0 : i32
    %sign3A_15 = arith.cmpi slt, %sub3A_11, %sign3A_14 : i32
    %sign3A_16 = arith.extui %sign3A_15 : i1 to i32
    %sign3A_17 = arith.subi %sign3A_13, %sign3A_16 : i32
    %sign3A_18 = arith.constant 0 : i32
    %sign3A_19 = arith.cmpi sgt, %jit3A, %sign3A_18 : i32
    %sign3A_20 = arith.extui %sign3A_19 : i1 to i32
    %sign3A_21 = arith.constant 0 : i32
    %sign3A_22 = arith.cmpi slt, %jit3A, %sign3A_21 : i32
    %sign3A_23 = arith.extui %sign3A_22 : i1 to i32
    %sign3A_24 = arith.subi %sign3A_20, %sign3A_23 : i32
    %ne3A = arith.cmpi ne, %sign3A_17, %sign3A_24 : i32
    %rem3A = arith.remsi %sub3A_11, %jit3A : i32
    %ne3A_25 = arith.constant 0 : i32
    %ne3A_26 = arith.cmpi ne, %rem3A, %ne3A_25 : i32
    %and3A = arith.andi %ne3A, %ne3A_26 : i1
    %sub3A_27 = arith.constant 1 : i32
    %sub3A_28 = arith.subi %div3A, %sub3A_27 : i32
    %select_n3A = arith.select %and3A, %sub3A_28, %div3A : i32
    %mul3A_29 = arith.constant 64 : i32
    %mul3A_30 = arith.muli %select_n3A, %mul3A_29 : i32
    %mul3A_31 = arith.constant 1024 : i32
    %mul3A_32 = arith.muli %add3A, %mul3A_31 : i32
    %get3A = arith.constant 0 : index
    %get3A_33 = tpu.vector_load %arg6[%get3A] {strides = array<i32>} : memref<1024xf32, #tpu.memory_space<vmem>>, vector<16xf32>,
    %slice3A = vector.extract_strided_slice %get3A_33 {offsets = [0], sizes = [1], strides = [1]} : vector<16xf32> to vector<1xf32>
    %squeeze3A = vector.extract %slice3A[0] : f32 from vector<1xf32>
    %broadcast_in_dim3A = arith.constant 0 : i32
    %broadcast_in_dim3A_34 = vector.broadcast %broadcast_in_dim3A : i32 to vector<16xi32>
    %broadcast_in_dim3A_35 = arith.constant 0.000000e+00 : f32
    %broadcast_in_dim3A_36 = vector.broadcast %broadcast_in_dim3A_35 : f32 to vector<16xf32>
    %add3A_37 = arith.constant 0 : i32
    %add3A_38 = arith.addi %scan3A_7, %add3A_37 : i32
    %add3A_39 = vector.broadcast %add3A_38 : i32 to vector<16xi32>
    %add3A_40 = arith.addi %add3A_39, %iota3A : vector<16xi32>
    %lt3A = vector.broadcast %mul3A_30 : i32 to vector<16xi32>
    %lt3A_41 = arith.cmpi slt, %add3A_40, %lt3A : vector<16xi32>
    %add3A_42 = vector.broadcast %mul3A_32 : i32 to vector<16xi32>
    %add3A_43 = arith.addi %broadcast_in_dim3A_34, %add3A_42 : vector<16xi32>
    tpu.vector_store_idx %arg7[%add3A_40], %add3A_43 masked %lt3A_41 : memref<1088xi32, #tpu.memory_space<vmem>>[vector<16xi32>], vector<16xi32>, vector<16xi1>
    %add3A_44 = vector.broadcast %squeeze3A : f32 to vector<16xf32>
    %add3A_45 = arith.addf %broadcast_in_dim3A_36, %add3A_44 : vector<16xf32>
    tpu.vector_store_idx %arg8[%add3A_40], %add3A_45 masked %lt3A_41 : memref<1088xf32, #tpu.memory_space<vmem>>[vector<16xi32>], vector<16xf32>, vector<16xi1>
    %add3A_46 = arith.constant 16 : i32
    %add3A_47 = arith.addi %scan3A_7, %add3A_46 : i32
    %add3A_48 = vector.broadcast %add3A_47 : i32 to vector<16xi32>
    %add3A_49 = arith.addi %add3A_48, %iota3A : vector<16xi32>
    %lt3A_50 = vector.broadcast %mul3A_30 : i32 to vector<16xi32>
    %lt3A_51 = arith.cmpi slt, %add3A_49, %lt3A_50 : vector<16xi32>
    %add3A_52 = vector.broadcast %mul3A_32 : i32 to vector<16xi32>
    %add3A_53 = arith.addi %broadcast_in_dim3A_34, %add3A_52 : vector<16xi32>
    tpu.vector_store_idx %arg7[%add3A_49], %add3A_53 masked %lt3A_51 : memref<1088xi32, #tpu.memory_space<vmem>>[vector<16xi32>], vector<16xi32>, vector<16xi1>
    %add3A_54 = vector.broadcast %squeeze3A : f32 to vector<16xf32>
    %add3A_55 = arith.addf %broadcast_in_dim3A_36, %add3A_54 : vector<16xf32>
    tpu.vector_store_idx %arg8[%add3A_49], %add3A_55 masked %lt3A_51 : memref<1088xf32, #tpu.memory_space<vmem>>[vector<16xi32>], vector<16xf32>, vector<16xi1>
    %add3A_56 = arith.constant 32 : i32
    %add3A_57 = arith.addi %scan3A_7, %add3A_56 : i32
    %add3A_58 = vector.broadcast %add3A_57 : i32 to vector<16xi32>
    %add3A_59 = arith.addi %add3A_58, %iota3A : vector<16xi32>
    %lt3A_60 = vector.broadcast %mul3A_30 : i32 to vector<16xi32>
    %lt3A_61 = arith.cmpi slt, %add3A_59, %lt3A_60 : vector<16xi32>
    %add3A_62 = vector.broadcast %mul3A_32 : i32 to vector<16xi32>
    %add3A_63 = arith.addi %broadcast_in_dim3A_34, %add3A_62 : vector<16xi32>
    tpu.vector_store_idx %arg7[%add3A_59], %add3A_63 masked %lt3A_61 : memref<1088xi32, #tpu.memory_space<vmem>>[vector<16xi32>], vector<16xi32>, vector<16xi1>
    %add3A_64 = vector.broadcast %squeeze3A : f32 to vector<16xf32>
    %add3A_65 = arith.addf %broadcast_in_dim3A_36, %add3A_64 : vector<16xf32>
    tpu.vector_store_idx %arg8[%add3A_59], %add3A_65 masked %lt3A_61 : memref<1088xf32, #tpu.memory_space<vmem>>[vector<16xi32>], vector<16xf32>, vector<16xi1>
    %add3A_66 = arith.constant 48 : i32
    %add3A_67 = arith.addi %scan3A_7, %add3A_66 : i32
    %add3A_68 = vector.broadcast %add3A_67 : i32 to vector<16xi32>
    %add3A_69 = arith.addi %add3A_68, %iota3A : vector<16xi32>
    %lt3A_70 = vector.broadcast %mul3A_30 : i32 to vector<16xi32>
    %lt3A_71 = arith.cmpi slt, %add3A_69, %lt3A_70 : vector<16xi32>
    %add3A_72 = vector.broadcast %mul3A_32 : i32 to vector<16xi32>
    %add3A_73 = arith.addi %broadcast_in_dim3A_34, %add3A_72 : vector<16xi32>
    tpu.vector_store_idx %arg7[%add3A_69], %add3A_73 masked %lt3A_71 : memref<1088xi32, #tpu.memory_space<vmem>>[vector<16xi32>], vector<16xi32>, vector<16xi1>
    %add3A_74 = vector.broadcast %squeeze3A : f32 to vector<16xf32>
    %add3A_75 = arith.addf %broadcast_in_dim3A_36, %add3A_74 : vector<16xf32>
    tpu.vector_store_idx %arg8[%add3A_69], %add3A_75 masked %lt3A_71 : memref<1088xf32, #tpu.memory_space<vmem>>[vector<16xi32>], vector<16xf32>, vector<16xi1>
    %eq3A = arith.constant 0 : i32
    %eq3A_76 = vector.broadcast %eq3A : i32 to vector<16xi32>
    %eq3A_77 = arith.cmpi eq, %iota3A, %eq3A_76 : vector<16xi32>
    %eq3A_78 = arith.constant 1 : i32
    %eq3A_79 = vector.broadcast %eq3A_78 : i32 to vector<16xi32>
    %eq3A_80 = arith.cmpi eq, %iota3A, %eq3A_79 : vector<16xi32>
    %jit3A_81 = arith.constant 0 : i32
    %broadcast_in_dim3A_82 = vector.broadcast %mul3A_30 : i32 to vector<16xi32>
    %broadcast_in_dim3A_83 = vector.broadcast %jit3A_81 : i32 to vector<16xi32>
    %select_n3A_84 = arith.select %eq3A_80, %broadcast_in_dim3A_82, %broadcast_in_dim3A_83 : vector<16xi1>, vector<16xi32>
    %broadcast_in_dim3A_85 = vector.broadcast %scan3A_7 : i32 to vector<16xi32>
    %select_n3A_86 = arith.select %eq3A_77, %broadcast_in_dim3A_85, %select_n3A_84 : vector<16xi1>, vector<16xi32>
    %swap3A = arith.constant 0 : index
    %swap3A_87 = tpu.vector_load %arg9[%swap3A] {strides = array<i32>} : memref<16xi32, #tpu.memory_space<vmem>>, vector<16xi32>,
    tpu.vector_store %arg9[%swap3A], %select_n3A_86 {strides = array<i32>} : memref<16xi32, #tpu.memory_space<vmem>>, vector<16xi32>,
    %mul3A_88 = arith.constant 1088 : i32
    %mul3A_89 = arith.muli %add3A, %mul3A_88 : i32
    %multiple_of3A_90 = tpu.assume_multiple %mul3A_89, 8 : i32
    "tpu.region"() ({
      %run_scoped3A = tpu.sem_alloc : memref<!tpu.dma_semaphore, #tpu.memory_space<semaphore_mem>>
      %dma_start3A = tpu.memref_slice %arg3[%multiple_of3A_90] : memref<34816xi32, #tpu.memory_space<hbm>> -> memref<1088xi32, #tpu.memory_space<hbm>>
      %dma_start3A_97 = tpu.memref_slice %arg3[%multiple_of3A_90] : memref<34816xi32, #tpu.memory_space<hbm>> -> memref<1088xi32, #tpu.memory_space<hbm>>
      tpu.enqueue_dma source(%arg7 : memref<1088xi32, #tpu.memory_space<vmem>>) target(%dma_start3A_97 : memref<1088xi32, #tpu.memory_space<hbm>>) target_semaphore(%run_scoped3A : memref<!tpu.dma_semaphore, #tpu.memory_space<semaphore_mem>>)
      %dma_wait3A = tpu.memref_slice %arg3[%multiple_of3A_90] : memref<34816xi32, #tpu.memory_space<hbm>> -> memref<1088xi32, #tpu.memory_space<hbm>>
      %dma_wait3A_98 = tpu.memref_slice %arg3[%multiple_of3A_90] : memref<34816xi32, #tpu.memory_space<hbm>> -> memref<1088xi32, #tpu.memory_space<hbm>>
      tpu.wait_dma2 semaphore(%run_scoped3A : memref<!tpu.dma_semaphore, #tpu.memory_space<semaphore_mem>>) src(%arg7 : memref<1088xi32, #tpu.memory_space<vmem>>) dst(%dma_wait3A_98 : memref<1088xi32, #tpu.memory_space<hbm>>)
      tpu.yield
    }) : () -> ()
    %mul3A_91 = arith.constant 1088 : i32
    %mul3A_92 = arith.muli %add3A, %mul3A_91 : i32
    %multiple_of3A_93 = tpu.assume_multiple %mul3A_92, 8 : i32
    "tpu.region"() ({
      %run_scoped3A = tpu.sem_alloc : memref<!tpu.dma_semaphore, #tpu.memory_space<semaphore_mem>>
      %dma_start3A = tpu.memref_slice %arg4[%multiple_of3A_93] : memref<34816xf32, #tpu.memory_space<hbm>> -> memref<1088xf32, #tpu.memory_space<hbm>>
      %dma_start3A_97 = tpu.memref_slice %arg4[%multiple_of3A_93] : memref<34816xf32, #tpu.memory_space<hbm>> -> memref<1088xf32, #tpu.memory_space<hbm>>
      tpu.enqueue_dma source(%arg8 : memref<1088xf32, #tpu.memory_space<vmem>>) target(%dma_start3A_97 : memref<1088xf32, #tpu.memory_space<hbm>>) target_semaphore(%run_scoped3A : memref<!tpu.dma_semaphore, #tpu.memory_space<semaphore_mem>>)
      %dma_wait3A = tpu.memref_slice %arg4[%multiple_of3A_93] : memref<34816xf32, #tpu.memory_space<hbm>> -> memref<1088xf32, #tpu.memory_space<hbm>>
      %dma_wait3A_98 = tpu.memref_slice %arg4[%multiple_of3A_93] : memref<34816xf32, #tpu.memory_space<hbm>> -> memref<1088xf32, #tpu.memory_space<hbm>>
      tpu.wait_dma2 semaphore(%run_scoped3A : memref<!tpu.dma_semaphore, #tpu.memory_space<semaphore_mem>>) src(%arg8 : memref<1088xf32, #tpu.memory_space<vmem>>) dst(%dma_wait3A_98 : memref<1088xf32, #tpu.memory_space<hbm>>)
      tpu.yield
    }) : () -> ()
    %mul3A_94 = arith.constant 16 : i32
    %mul3A_95 = arith.muli %add3A, %mul3A_94 : i32
    %multiple_of3A_96 = tpu.assume_multiple %mul3A_95, 8 : i32
    "tpu.region"() ({
      %run_scoped3A = tpu.sem_alloc : memref<!tpu.dma_semaphore, #tpu.memory_space<semaphore_mem>>
      %dma_start3A = tpu.memref_slice %arg5[%multiple_of3A_96] : memref<512xi32, #tpu.memory_space<hbm>> -> memref<16xi32, #tpu.memory_space<hbm>>
      %dma_start3A_97 = tpu.memref_slice %arg5[%multiple_of3A_96] : memref<512xi32, #tpu.memory_space<hbm>> -> memref<16xi32, #tpu.memory_space<hbm>>
      tpu.enqueue_dma source(%arg9 : memref<16xi32, #tpu.memory_space<vmem>>) target(%dma_start3A_97 : memref<16xi32, #tpu.memory_space<hbm>>) target_semaphore(%run_scoped3A : memref<!tpu.dma_semaphore, #tpu.memory_space<semaphore_mem>>)
      %dma_wait3A = tpu.memref_slice %arg5[%multiple_of3A_96] : memref<512xi32, #tpu.memory_space<hbm>> -> memref<16xi32, #tpu.memory_space<hbm>>
      %dma_wait3A_98 = tpu.memref_slice %arg5[%multiple_of3A_96] : memref<512xi32, #tpu.memory_space<hbm>> -> memref<16xi32, #tpu.memory_space<hbm>>
      tpu.wait_dma2 semaphore(%run_scoped3A : memref<!tpu.dma_semaphore, #tpu.memory_space<semaphore_mem>>) src(%arg9 : memref<16xi32, #tpu.memory_space<vmem>>) dst(%dma_wait3A_98 : memref<16xi32, #tpu.memory_space<hbm>>)
      tpu.yield
    }) : () -> ()
    return
  }
}

module attributes {stable_mosaic.version = 14 : i64} {
  func.func @_ffn_body(%arg0: i32, %arg1: memref<256x768xf32, #tpu.memory_space<vmem>>, %arg2: memref<768x1536xf32, #tpu.memory_space<vmem>>, %arg3: memref<1x1536xf32, #tpu.memory_space<vmem>>, %arg4: memref<1536x768xf32, #tpu.memory_space<vmem>>, %arg5: memref<1x768xf32, #tpu.memory_space<vmem>>, %arg6: memref<256x1xf32, #tpu.memory_space<vmem>>, %arg7: memref<256x768xf32, #tpu.memory_space<vmem>>) attributes {dimension_semantics = [#tpu.dimension_semantics<arbitrary>], iteration_bounds = array<i64: -9223372036854775808>, scalar_prefetch = 0 : i64, scratch_operands = 0 : i64, tpu.core_type = #tpu.core_type<tc>, window_params = [{transform_indices = @transform_0, window_bounds = array<i64: 256, 768>}, {pipeline_mode = #tpu.pipeline_mode<synchronous>, transform_indices = @transform_1, window_bounds = array<i64: 768, 1536>}, {pipeline_mode = #tpu.pipeline_mode<synchronous>, transform_indices = @transform_2, window_bounds = array<i64: 1, 1536>}, {pipeline_mode = #tpu.pipeline_mode<synchronous>, transform_indices = @transform_3, window_bounds = array<i64: 1536, 768>}, {pipeline_mode = #tpu.pipeline_mode<synchronous>, transform_indices = @transform_4, window_bounds = array<i64: 1, 768>}, {transform_indices = @transform_5, window_bounds = array<i64: 256, 1>}, {transform_indices = @transform_6, window_bounds = array<i64: 256, 768>}]} {
    %get3A = arith.constant 0 : index
    %get3A_0 = arith.constant 0 : index
    %get3A_1 = vector.load %arg1[%get3A, %get3A_0] : memref<256x768xf32, #tpu.memory_space<vmem>>, vector<256x768xf32>
    %get3A_2 = arith.constant 0 : index
    %get3A_3 = arith.constant 0 : index
    %get3A_4 = vector.load %arg2[%get3A_2, %get3A_3] : memref<768x1536xf32, #tpu.memory_space<vmem>>, vector<768x1536xf32>
    %dot_general3A = arith.constant dense<0.000000e+00> : vector<256x1536xf32>
    %dot_general3A_5 = tpu.matmul %get3A_1, %get3A_4, %dot_general3A {dimension_numbers = #tpu.dot_dimension_numbers<[1], [0], [0], [1], [0, 0, 1, 1], [], []>, transpose_lhs_hint = false} : vector<256x768xf32>, vector<768x1536xf32>, vector<256x1536xf32> -> vector<256x1536xf32>
    %get3A_6 = arith.constant 0 : index
    %get3A_7 = arith.constant 0 : index
    %get3A_8 = vector.load %arg3[%get3A_6, %get3A_7] : memref<1x1536xf32, #tpu.memory_space<vmem>>, vector<1x1536xf32>
    %add3A = vector.broadcast %get3A_8 : vector<1x1536xf32> to vector<256x1536xf32>
    %add3A_9 = arith.addf %dot_general3A_5, %add3A : vector<256x1536xf32>
    %max3A = arith.constant 0.000000e+00 : f32
    %max3A_10 = vector.broadcast %max3A : f32 to vector<256x1536xf32>
    %max3A_11 = arith.maximumf %add3A_9, %max3A_10 : vector<256x1536xf32>
    %get3A_12 = arith.constant 0 : index
    %get3A_13 = arith.constant 0 : index
    %get3A_14 = vector.load %arg4[%get3A_12, %get3A_13] : memref<1536x768xf32, #tpu.memory_space<vmem>>, vector<1536x768xf32>
    %dot_general3A_15 = arith.constant dense<0.000000e+00> : vector<256x768xf32>
    %dot_general3A_16 = tpu.matmul %max3A_11, %get3A_14, %dot_general3A_15 {dimension_numbers = #tpu.dot_dimension_numbers<[1], [0], [0], [1], [0, 0, 1, 1], [], []>, transpose_lhs_hint = false} : vector<256x1536xf32>, vector<1536x768xf32>, vector<256x768xf32> -> vector<256x768xf32>
    %get3A_17 = arith.constant 0 : index
    %get3A_18 = arith.constant 0 : index
    %get3A_19 = vector.load %arg5[%get3A_17, %get3A_18] : memref<1x768xf32, #tpu.memory_space<vmem>>, vector<1x768xf32>
    %add3A_20 = vector.broadcast %get3A_19 : vector<1x768xf32> to vector<256x768xf32>
    %add3A_21 = arith.addf %dot_general3A_16, %add3A_20 : vector<256x768xf32>
    %get3A_22 = arith.constant 0 : index
    %get3A_23 = arith.constant 0 : index
    %get3A_24 = vector.load %arg6[%get3A_22, %get3A_23] : memref<256x1xf32, #tpu.memory_space<vmem>>, vector<256x1xf32>
    %mul3A = vector.broadcast %get3A_24 : vector<256x1xf32> to vector<256x768xf32>
    %mul3A_25 = arith.mulf %add3A_21, %mul3A : vector<256x768xf32>
    %swap3A = arith.constant 0 : index
    %swap3A_26 = arith.constant 0 : index
    %swap3A_27 = vector.load %arg7[%swap3A, %swap3A_26] : memref<256x768xf32, #tpu.memory_space<vmem>>, vector<256x768xf32>
    tpu.vector_store %arg7[%swap3A, %swap3A_26], %mul3A_25 {strides = array<i32>} : memref<256x768xf32, #tpu.memory_space<vmem>>, vector<256x768xf32>,
    return
  }
  func.func @transform_0(%arg0: i32) -> (i32, i32) {
    %c0_i32 = arith.constant 0 : i32
    %c0_i32_0 = arith.constant 0 : i32
    return %arg0, %c0_i32 : i32, i32
  }
  func.func @transform_1(%arg0: i32) -> (i32, i32) {
    %c0_i32 = arith.constant 0 : i32
    %c0_i32_0 = arith.constant 0 : i32
    %c0_i32_1 = arith.constant 0 : i32
    return %c0_i32, %c0_i32_0 : i32, i32
  }
  func.func @transform_2(%arg0: i32) -> (i32, i32) {
    %c0_i32 = arith.constant 0 : i32
    %c0_i32_0 = arith.constant 0 : i32
    %c0_i32_1 = arith.constant 0 : i32
    return %c0_i32, %c0_i32_0 : i32, i32
  }
  func.func @transform_3(%arg0: i32) -> (i32, i32) {
    %c0_i32 = arith.constant 0 : i32
    %c0_i32_0 = arith.constant 0 : i32
    %c0_i32_1 = arith.constant 0 : i32
    return %c0_i32, %c0_i32_0 : i32, i32
  }
  func.func @transform_4(%arg0: i32) -> (i32, i32) {
    %c0_i32 = arith.constant 0 : i32
    %c0_i32_0 = arith.constant 0 : i32
    %c0_i32_1 = arith.constant 0 : i32
    return %c0_i32, %c0_i32_0 : i32, i32
  }
  func.func @transform_5(%arg0: i32) -> (i32, i32) {
    %c0_i32 = arith.constant 0 : i32
    %c0_i32_0 = arith.constant 0 : i32
    return %arg0, %c0_i32 : i32, i32
  }
  func.func @transform_6(%arg0: i32) -> (i32, i32) {
    %c0_i32 = arith.constant 0 : i32
    %c0_i32_0 = arith.constant 0 : i32
    return %arg0, %c0_i32 : i32, i32
  }
}

</mosaic_0001>

<sc_bundles>
// kernel: kernel.10.cloned.1.call-start
scs
__scs_entry_jumppad:
0x0: {  	(pc) =	sbr.rel $0x88, $3  }
0x1: {  	(tag) =	ssettag $0x0;
	lr =	simm.s32 $0x1  }
0x2: {  	[smem:$0x3F9A] =	sst lr;
	_ =	strace $0xD0000000  }
0x3: {  	_ = 	snop  }
0x4: {  	_ = 	snop  }
0x5: {  	_ = 	snop  }
0x6: {  	_ = 	snop  }
0x7: {  	_ = 	snop  }
__scs_overlays_trampoline_lowered:
0x8: {  	[smem:$0x3FA9] =	sst s0  }
0x9: {  	[smem:$0x3FAA] =	sst s1  }
0xa: {  	[smem:$0x3FAB] =	sst s2  }
0xb: {  	[smem:$0x3FAC] =	sst s3  }
0xc: {  	[smem:$0x3FAD] =	sst s4  }
0xd: {  	[smem:$0x3FAE] =	sst s5  }
0xe: {  	[smem:$0x3FAF] =	sst s6  }
0xf: {  	[smem:$0x3FB0] =	sst s7  }
0x10: {  	[smem:$0x3FB1] =	sst s8  }
0x11: {  	[smem:$0x3FB2] =	sst s9;
	s0 =	simm.s32 @!p0 $0x0  }
0x12: {  	s1 =	sld [smem:$0x3F98];
	s0 =	simm.s32 @p0 $0x1  }
0x13: {  	[smem:$0x3FB3] =	sst s0;
	s0 =	simm.s32 @!p1 $0x0  }
0x14: {  	s2 =	sld [smem:$0x3F97];
	s0 =	simm.s32 @p1 $0x1  }
0x15: {  	[smem:$0x3FB4] =	sst s0;
	s0 =	simm.s32 @!p2 $0x0  }
0x16: {  	s3 =	sld [smem:$0x3FDB];
	s0 =	simm.s32 @p2 $0x1  }
0x17: {  	s4 =	simm.s32 $0x1BF5;
	[smem:$0x3FB6] =	sst s0  }
0x18: {  	s0 =	sld [smem:$0x3F99];
	_ =	swait.ge [sflag:s4], $0x0  }
0x19: {  	s7 =	sld [smem:$0x3F9A]  }
0x1a: {  	s8 =	sadd.s32 $0xFFFFE003, lr  }
0x1b: {  	s9 =	sadd.s32 $0xFFFFFEF7, lr;
	s5 =	simm.s32 $0xFFFFFFFF;
	p2 =	slt.u32 s8, $0xFFFFF086  }
0x1c: {  	p1 =	slt.u32 s9, $0xF7A;
	s5 =	simm.s32 @!p2 $0x0  }
0x1d: {  	s5 =	simm.s32 @p1 $0x1;
	p0 =	seq.s32 s7, s2  }
0x1e: {  	s7 =	smul.u32 @!p0 $0xF7A, s2;
	p2 =	seq.s32 @!p0 s5, $0x0  }
0x1f: {  	s9 =	smul.u32 $0xF7A, s1;
	s8 =	simm.s32 @!p0 $0x1BF5;
	p2 =	por !p2, p0  }
0x20: {  	[sflag:s8] =	ssyncset.s32 @!p0 $0xFFFFF086;
	s6 =	sadd.s32 @!p0 s3, s7;
	s7 =	simm.s32 @!p0 $0x108  }
0x21: {  	s3 =	sadd.s32 s3, s9;
	s6 =	sadd.s32 @!p0 $0x88, s6;
	s7 =	simm.s32 @p2 $0x1082  }
0x22: {  	[simem:s7], [sflag:s8] =	dma.local @!p0 [hbm:s6], $0xF7A  }
0x23: {  	s9 =	sor.u32 $0xD0000000, s2;
	s6 =	simm.s32 $0x108;
	_ =	swait.ge @!p0 [sflag:s8], $0x0  }
0x24: {  	s3 =	sadd.s32 $0x88, s3;
	s6 =	simm.s32 @!p1 $0x1082;
	[sflag:s4] =	ssyncset.s32 $0xFFFFF086  }
0x25: {  	[simem:s6], [sflag:s4] =	dma.local [hbm:s3], $0xF7A  }
0x26: {  	[smem:$0x3F9A] =	sst s1;
	(tag) =	ssettag s2;
	_ =	strace s9  }
0x27: {  	s1 =	sld [smem:$0x3FAA]  }
0x28: {  	s2 =	sld [smem:$0x3FAB]  }
0x29: {  	s4 =	sld [smem:$0x3FAD]  }
0x2a: {  	p0 =	seq.s32 s5, $0x0;
	s5 =	sld [smem:$0x3FAE]  }
0x2b: {  	s6 =	sld [smem:$0x3FAF]  }
0x2c: {  	s7 =	sld [smem:$0x3FB0]  }
0x2d: {  	s3 =	simm.s32 $0x108;
	s8 =	sld [smem:$0x3FB1]  }
0x2e: {  	s3 =	simm.s32 @!p0 $0x1082;
	s9 =	sld [smem:$0x3FB2]  }
0x2f: {  	lr =	sadd.s32 s0, s3;
	s0 =	sld [smem:$0x3FA9]  }
0x30: {  	s3 =	sld [smem:$0x3FAC]  }
0x31: {  	[smem:$0x3FB5] =	sst s10  }
0x32: {  	s10 =	sld [smem:$0x3FB3];
	_ =	sdelay $0x3  }
0x33: {  	p0 =	seq.s32 s10, $0x1;
	s10 =	sld [smem:$0x3FB5];
	_ =	sdelay $0x3  }
0x34: {  	[smem:$0x3FB5] =	sst s10  }
0x35: {  	s10 =	sld [smem:$0x3FB4];
	_ =	sdelay $0x3  }
0x36: {  	p1 =	seq.s32 s10, $0x1;
	s10 =	sld [smem:$0x3FB5];
	_ =	sdelay $0x3  }
0x37: {  	[smem:$0x3FB5] =	sst s10  }
0x38: {  	s10 =	sld [smem:$0x3FB6]  }
0x39: {  	_ = 	snop;
	(pc) =	sbr.ind lr, $3  }
0x3a: {  	_ = 	snop  }
0x3b: {  	_ = 	snop  }
0x3c: {  	p2 =	seq.s32 s10, $0x1;
	s10 =	sld [smem:$0x3FB5]  }
0x3d: {  	_ =	shalt  }
0x3e: {  	_ =	shalt  }
0x3f: {  	_ =	shalt  }
0x40: {  	_ =	shalt  }
0x41: {  	_ =	shalt  }
0x42: {  	_ =	shalt  }
0x43: {  	_ =	shalt  }
0x44: {  	_ =	shalt  }
0x45: {  	_ =	shalt  }
0x46: {  	_ =	shalt  }
0x47: {  	_ =	shalt  }
0x48: {  	_ =	shalt  }
0x49: {  	_ =	shalt  }
0x4a: {  	_ =	shalt  }
0x4b: {  	_ =	shalt  }
0x4c: {  	_ =	shalt  }
0x4d: {  	_ =	shalt  }
0x4e: {  	_ =	shalt  }
0x4f: {  	_ =	shalt  }
0x50: {  	_ =	shalt  }
0x51: {  	_ =	shalt  }
0x52: {  	_ =	shalt  }
0x53: {  	_ =	shalt  }
0x54: {  	_ =	shalt  }
0x55: {  	_ =	shalt  }
0x56: {  	_ =	shalt  }
0x57: {  	_ =	shalt  }
0x58: {  	_ =	shalt  }
0x59: {  	_ =	shalt  }
0x5a: {  	_ =	shalt  }
0x5b: {  	_ =	shalt  }
0x5c: {  	_ =	shalt  }
0x5d: {  	_ =	shalt  }
0x5e: {  	_ =	shalt  }
0x5f: {  	_ =	shalt  }
0x60: {  	_ =	shalt  }
0x61: {  	_ =	shalt  }
0x62: {  	_ =	shalt  }
0x63: {  	_ =	shalt  }
0x64: {  	_ =	shalt  }
0x65: {  	_ =	shalt  }
0x66: {  	_ =	shalt  }
0x67: {  	_ =	shalt  }
0x68: {  	_ =	shalt  }
0x69: {  	_ =	shalt  }
0x6a: {  	_ =	shalt  }
0x6b: {  	_ =	shalt  }
0x6c: {  	_ =	shalt  }
0x6d: {  	_ =	shalt  }
0x6e: {  	_ =	shalt  }
0x6f: {  	_ =	shalt  }
0x70: {  	_ =	shalt  }
0x71: {  	_ =	shalt  }
0x72: {  	_ =	shalt  }
0x73: {  	_ =	shalt  }
0x74: {  	_ =	shalt  }
0x75: {  	_ =	shalt  }
0x76: {  	_ =	shalt  }
0x77: {  	_ =	shalt  }
0x78: {  	_ =	shalt  }
0x79: {  	_ =	shalt  }
0x7a: {  	_ =	shalt  }
0x7b: {  	_ =	shalt  }
0x7c: {  	_ =	shalt  }
0x7d: {  	_ =	shalt  }
0x7e: {  	_ =	shalt  }
0x7f: {  	_ =	shalt  }
0x80: {  	_ =	shalt  }
0x81: {  	_ =	shalt  }
0x82: {  	_ =	shalt  }
0x83: {  	_ =	shalt  }
0x84: {  	_ =	shalt  }
0x85: {  	_ =	shalt  }
0x86: {  	_ =	shalt  }
0x87: {  	_ =	shalt  }
.Lfunc_end0:
.L_simem_size_0:
called_computation.1_lowered:
.L_overlay_start_0:
0x88: {  	s2 =	sld [smem:$0x3FD9]  }
0x89: {  	s3 =	sld [smem:$0x3FFE];
	_ =	sdelay $0x1  }
0x8a: {  	s1 =	srdreg.scid  }
0x8b: {  	s0 =	sand.u32 $0x1, s1  }
0x8c: {  	s17 =	sshll.u32 s0, $0xA;
	s2 =	sadd.s32 s3, s2  }
0x8d: {  	s2 =	sadd.s32 s2, s17  }
0x8e: {  	[smem:$0x3FC1] =	sst s2  }
0x8f: {  	_ = 	snop  }
0x90: {  	s2 =	sld [smem:$0x3FC9];
	(tm) =	ssettm $0x1  }
0x91: {  	s18 =	sld [smem:$0x3FFB];
	_ =	sdelay $0x3  }
0x92: {  	_ =	strace s18  }
0x93: {  	s3 =	sld [smem:$0x3FFC];
	_ =	sdelay $0x3  }
0x94: {  	_ =	strace s3  }
0x95: {  	s3 =	sld [smem:$0x3FFD];
	_ =	sdelay $0x3  }
0x96: {  	_ =	strace s3  }
0x97: {  	_ =	strace $0x8FFFFFFF  }
0x98: {  	s19 =	sld [smem:$0x3FDB];
	_ =	sdelay $0x1  }
0x99: {  	s4 =	simm.s32 $_scs_section_size  }
0x9a: {  	s5 =	simm.s32 $_size__tile_overlayer_lowered;
	s6 =	simm.s32 $_tile_overlayer_lowered  }
0x9b: {  	s22 =	simm.s32 $0x1BFF;
	s21 =	sshll.u32 s6, $0x1;
	s3 =	sadd.s32 s4, s19  }
0x9c: {  	s7 =	simm.s32 $0x0;
	s20 =	sshll.u32 s5, $0x1;
	s5 =	sadd.s32 s21, s3  }
0x9d: {  	[timem:s7], [sflag:s22] =	dma.local [hbm:s5], s20  }
0x9e: {  	_ =	swait.ge [sflag:s22], s20  }
0x9f: {  	s4 =	ssub.s32 $0x0, s20;
	[sflag:s22] =	ssyncset.done $0x0  }
0xa0: {  	[sflag:s22] =	ssyncadd.s32 s4;
	_ =	sdelay $0x1  }
0xa1: {  	s23 =	simm.s32 $0x1B8B  }
0xa2: {  	_ =	swait.ge [sflag:s23], $0x1  }
0xa3: {  	[sflag:s23] =	ssyncset.done $0x0  }
0xa4: {  	s25 =	simm.s32 $0x1B8E;
	s24 =	sld [smem:$0x3FFE];
	[sflag:s23] =	ssyncadd.s32 $0xFFFFFFFF  }
0xa5: {  	s26 =	simm.s32 $execute0_lowered;
	[smem:$0x3FD2] =	sst s25  }
0xa6: {  	s5 =	sshll.u32 s26, $0x1;
	_ =	strace $0x80000049;
	[dreg:$0x1] =	wrdreg $0xFFFFFFFF  }
0xa7: {  	s28 =	simm.s32 $_size_execute0_lowered;
	s3 =	sadd.s32 s3, s5;
	[dreg:$0x0] =	wrdreg $0x0  }
0xa8: {  	s5 =	sshll.u32 s28, $0x1;
	[dreg:$0x2] =	wrdreg s3  }
0xa9: {  	[dreg:$0x3] =	wrdreg s5  }
0xaa: {  	[dreg:$0x4] =	wrdreg $0xC0  }
0xab: {  	_ =	task [dreg:s7], $0x5FFFF  }
0xac: {  	[dreg:$0x1] =	wrdreg $0xFFFFFFFF  }
0xad: {  	[dreg:$0x0] =	wrdreg $0x60  }
0xae: {  	[dreg:$0x2] =	wrdreg s2  }
0xaf: {  	[dreg:$0x3] =	wrdreg s24  }
0xb0: {  	[dreg:$0x4] =	wrdreg $0x9  }
0xb1: {  	_ =	task.clear_ibuf [dreg:s7], $0x5FFFF;
	_ =	strace $0x90000049  }
0xb2: {  	s29 =	simm.s32 $0x9;
	_ =	strace $0x8000004B  }
0xb3: {  	_ =	swait.ge [sflag:s29], $0x1  }
0xb4: {  	[sflag:s29] =	ssyncadd.s32 $0xFFFFFFFF  }
0xb5: {  	_ =	strace $0x9000004B  }
0xb6: {  	_ =	sfence  }
0xb7: {  	s30 =	sld [smem:$0x0];
	_ =	sdelay $0x2  }
0xb8: {  	s31 =	sshll.u32 s1, $0xD;
	s1 =	sshrl.u32 s1, $0x2  }
0xb9: {  	s3 =	sand.u32 $0x4000, s31;
	s1 =	sadd.s32 s1, s30  }
0xba: {  	s0 =	sor.u32 s3, s0;
	s1 =	sshll.u32 s1, $0x11  }
0xbb: {  	s0 =	sor.u32 s1, s0  }
0xbc: {  	s0 =	sadd.s32 $0x8F2B, s0  }
0xbd: {  	[sflag:s0] =	ssyncadd.remote.s32 $0x1  }
0xbe: {  	_ =	sfence.sel $0xFFFF  }
0xbf: {  	[dreg:$0x0] =	wrdreg $0xFFFFFFFF;
	(pc) =	sbr.abs _section_cstart, $3  }
0xc0: {  	[dreg:$0x1] =	wrdreg $0xFFFFFFFF  }
0xc1: {  	_ =	task.clear_ibuf [dreg:s7], $0x2FFFF;
	_ =	strace $0x9FFFFFFF  }
0xc2: {  	(tm) =	ssettm $0x7FFFFFFF  }
0xc3: {  	_ =	shalt  }
tec
execute0_lowered:
.L_overlay_start_1:
0x0: {  	(tag) =	ssettag $0x1  }
0x1: {  	s2 =	rddreg [dreg:$0x0]  }
0x2: {  	s6 =	rddreg [dreg:$0x1];
	s4 =	simm.s32 $0x0  }
0x3: {  	s5 =	stileid.u32;
	[smem:$0x7FF] =	sst s4;
	s8 =	sadd.s32 $0x2E00, s6  }
0x4: {  	s7 =	sadd.s32 $0x4000, s6;
	_ =	strace $0x8000004A;
	[dreg:$0x13] =	wrdreg s8  }
0x5: {  	s16 =	sadd.s32 $0x3FEA, s5;
	[dreg:$0x3] =	wrdreg s7  }
0x6: {  	s18 =	simm.s32 $0x1380;
	[dreg:$0x5] =	wrdreg s16  }
0x7: {  	s19 =	simm.s32 $0x1B80;
	[dreg:$0x6] =	wrdreg s18  }
0x8: {  	s20 =	simm.s32 $0x2380;
	[dreg:$0x7] =	wrdreg s19  }
0x9: {  	s0 =	srdreg.scid;
	s21 =	simm.s32 $0x2B80;
	[dreg:$0x8] =	wrdreg s20  }
0xa: {  	s22 =	simm.s32 $0x3380;
	s23 =	simm.s32 $0x3B80;
	[dreg:$0x9] =	wrdreg s21  }
0xb: {  	s24 =	simm.s32 $0x4380;
	s25 =	simm.s32 $0x4B80;
	[dreg:$0xa] =	wrdreg s22  }
0xc: {  	s11 =	simm.s32 $0x2;
	s26 =	simm.s32 $0x5380;
	[dreg:$0xb] =	wrdreg s23  }
0xd: {  	s28 =	simm.s32 $0x5B80;
	s29 =	simm.s32 $0x6380;
	[dreg:$0xc] =	wrdreg s24  }
0xe: {  	s14 =	simm.s32 $0x1;
	s30 =	simm.s32 $0x6B80;
	[dreg:$0xd] =	wrdreg s25  }
0xf: {  	s15 =	simm.s32 $0xB80;
	s31 =	simm.s32 $0x7380;
	[dreg:$0xe] =	wrdreg s26  }
0x10: {  	s0 =	sand.u32 $0x1, s0;
	s1 =	sshll.u32 s5, $0x1;
	[dreg:$0xf] =	wrdreg s28  }
0x11: {  	s9 =	sadd.s32 $0x200, s2;
	s3 =	sor.u32 s0, s1;
	[dreg:$0x10] =	wrdreg s29  }
0x12: {  	s0 =	ssub.s32 $0x2, s0;
	s8 =	sadd.s32 $0x100, s2;
	[dreg:$0x11] =	wrdreg s30  }
0x13: {  	[dreg:$0x12] =	wrdreg s31;
	s16 =	simm.s32 $0x7B80;
	s18 =	simm.s32 $0x8B80  }
0x14: {  	s19 =	simm.s32 $0x9380;
	s20 =	simm.s32 $0x9B80;
	s21 =	simm.s32 $0xA380  }
0x15: {  	s22 =	simm.s32 $0xAB80;
	s23 =	simm.s32 $0xB380;
	s24 =	simm.s32 $0xBB80  }
.Ltmp0:
0x16: {  	s25 =	simm.s32 $0xC380;
	s26 =	simm.s32 $0x0;
	(pc) =	sbr.rel .LBB2_1-.Ltmp0, $4  }
0x17: {  	s1 =	smul.u32 $0x88, s3;
	s17 =	sshrl.u32 s0, $0x1;
	s13 =	sshll.u32 s3, $0x6  }
0x18: {  	v2 =	vlaneseq.u32;
	s0 =	ssub.s32 s0, s17;
	s13 =	sshrl.u32 s13, $0x2;
	s17 =	simm.s32 $0x8380  }
0x19: {  	vm0 =	vmmov $0xffff;
	v1 =	vshrl.u32 v2, $0x3;
	s1 =	sadd.s32 s1, s6;
	s6 =	sadd.s32 $0x3000, s6;
	s10 =	smax.u32 s0, $0x1  }
0x1a: {  	v0 =	vand.u32 $0x7, v2;
	v2 =	vor.u32 $0x8, v2;
	v1 =	vmul.u32 $0x8, v1;
	[dreg:$0x4] =	wrdreg s6;
	s6 =	sadd.s32 $0x1C00, s1;
	s7 =	sadd.s32 $0xA00, s1  }
.LBB2_6:
0x1b: {  	s26 =	sadd.s32 $0x1, s26  }
0x1c: {  	p0 =	sne.s32 s26, s10  }
.Ltmp1:
0x1d: {  	_ = 	snop;
	(pc) =	sbr.rel @!p0 .LBB2_7-.Ltmp1, $1  }
0x1e: {  	_ =	sdelay $0x3  }
.LBB2_1:
0x1f: {  	s0 =	simm.s32 $0x900;
	s1 =	rddreg [dreg:$0x13]  }
0x20: {  	[tilespmem:s0], [sflag:$0x2] =	stream.linear.gather [hbm4b:s1+s4], $0x200, $0x38;
	[tilespmem:$0xCB80] =	vst v63  }
0x21: {  	_ =	swait.ge [sflag:s11], $0x200  }
0x22: {  	[sflag:s11] =	ssyncset.done $0x0  }
0x23: {  	[sflag:s11] =	ssyncadd.s32 $0xFFFFFE00  }
0x24: {  	[tilespmem:s4], [sflag:$0x2] =	stream.linear.gather [hbm4b:s6+s4], $0x440, $0x38;
	[tilespmem:$0xCB80] =	vst v63  }
0x25: {  	_ =	swait.ge [sflag:s11], $0x440  }
0x26: {  	[sflag:s11] =	ssyncset.done $0x0  }
0x27: {  	s12 =	simm.s32 $0x480;
	[sflag:s11] =	ssyncadd.s32 $0xFFFFFBC0  }
0x28: {  	[tilespmem:s12], [sflag:$0x2] =	stream.linear.gather [hbm4b:s7+s4], $0x440, $0x38;
	[tilespmem:$0xCB80] =	vst v63  }
0x29: {  	_ =	swait.ge [sflag:s11], $0x440  }
0x2a: {  	[sflag:s11] =	ssyncset.done $0x0  }
0x2b: {  	[sflag:s11] =	ssyncadd.s32 $0xFFFFFBC0  }
0x2c: {  	v3 =	vld [tilespmem:s0+$0x0]  }
0x2d: {  	s5 =	simm.s32 $0x910  }
0x2e: {  	s12 =	simm.s32 $0x920;
	v4 =	vld [tilespmem:s5+$0x0]  }
0x2f: {  	v5 =	vld [tilespmem:s12+$0x0];
	_ =	sdelay $0x1  }
0x30: {  	(v2sf) =	vpush v3, $0x1;
	_ =	sdelay $0x1  }
0x31: {  	(v2sf) =	vpush v4, $0x1  }
0x32: {  	(v2sf) =	vpush v5, $0x1;
	_ =	sdelay $0x7  }
0x33: {  	s29 =	simm.s32 $0x1;
	s28 =	simm.s32 $0x2;
	s31 =	simm.s32 $0x3  }
0x34: {  	s30 =	simm.s32 $0x0;
	s1 =	simm.s32 $0x0;
	s0 =	simm.s32 $0x930;
	v3 =	vld [tilespmem:s13+$0x900]  }
.LBB2_2:
0x35: {  	v4 =	vld [tilespmem:s0+$0x0];
	p0 =	sne.s32 s31, $0x1F;
	s12 =	smov.u32 s31;
	s31 =	sadd.s32 $0x1, s31  }
.Ltmp2:
0x36: {  	(pc) =	sbr.rel @p0 .LBB2_2-.Ltmp2, $4  }
0x37: {  	p1 =	slt.u32 s1, s3;
	s1 =	smov.u32 s29;
	s5 =	spop (v2sf)  }
0x38: {  	s29 =	smov.u32 s28;
	s28 =	smov.u32 s12;
	s5 =	simm.s32 @!p1 $0x0  }
0x39: {  	s30 =	sadd.s32 s30, s5  }
0x3a: {  	s0 =	sadd.s32 $0x10, s0;
	(v2sf) =	vpush v4, $0x1  }
0x3b: {  	(v2sf) =	vpush v3, $0x1;
	_ =	sdelay $0xb  }
0x3c: {  	s0 =	spop (v2sf)  }
0x3d: {  	s5 =	spop (v2sf)  }
0x3e: {  	s12 =	spop (v2sf)  }
0x3f: {  	p0 =	slt.u32 s1, s3;
	s1 =	spop (v2sf)  }
0x40: {  	s0 =	simm.s32 @!p0 $0x0;
	s31 =	sand.u32 $0x3F, s1  }
0x41: {  	p1 =	slt.s32 s1, $0x1;
	p6 =	sne.s32 s31, $0x0;
	s31 =	sshra.s32 s1, $0x1F  }
0x42: {  	s0 =	sadd.s32 s30, s0;
	s31 =	sshrl.u32 s31, $0x1A;
	p0 =	por !p1, !p6  }
0x43: {  	s30 =	simm.s32 $0x1;
	s1 =	sadd.s32 s31, s1;
	p0 =	por !p0, !p0  }
0x44: {  	s1 =	sshra.s32 s1, $0x6;
	s30 =	simm.s32 @!p0 $0x0  }
0x45: {  	p0 =	slt.u32 s28, s3;
	s28 =	ssub.s32 s1, s30  }
0x46: {  	s12 =	simm.s32 @!p0 $0x0;
	p0 =	slt.s32 s28, $0x1  }
.Ltmp3:
0x47: {  	_ = 	snop;
	(pc) =	sbr.rel @p0 .LBB2_6-.Ltmp3, $4  }
0x48: {  	p1 =	slt.u32 s29, s3  }
0x49: {  	s5 =	simm.s32 @!p1 $0x0  }
0x4a: {  	s0 =	sadd.s32 s0, s5  }
0x4b: {  	s29 =	sadd.s32 s0, s12  }
0x4c: {  	s0 =	sand.u32 $0x7, s29  }
0x4d: {  	s30 =	simm.s32 $0x20;
	s31 =	simm.s32 $0x480;
	p0 =	seq.s32 s0, $0x0  }
.LBB2_5:
0x4e: {  	v3 =	vld [tilespmem:s30+$0xFFFFFFE0];
	_ =	sdelay $0x4  }
0x4f: {  	[tilespmem:$0xB00] =	vst v3  }
0x50: {  	v4 =	vld [tilespmem:s30+$0xFFFFFFF0];
	_ =	sdelay $0x4  }
0x51: {  	[tilespmem:$0xB10] =	vst v4  }
0x52: {  	v4 =	vld [tilespmem:s30+$0x0]  }
0x53: {  	v5 =	vshrl.u32 v3, $0x3  }
0x54: {  	v5 =	vmul.u32 $0x30, v5  }
0x55: {  	v3 =	vand.u32 $0x7, v3  }
0x56: {  	v3 =	vor.u32 v3, v5  }
0x57: {  	v59 =	vperm.xlane v3, v0;
	[tilespmem:$0xB20] =	vst v4  }
0x58: {  	v60 =	vld [tilespmem:s30+$0x10]  }
0x59: {  	v4 =	vadd.s32 v1, v59;
	_ =	sdelay $0x3  }
0x5a: {  	v3 =	vperm.xlane v3, v2;
	[tilespmem:$0xB30] =	vst v60  }
0x5b: {  	[tilespmem:s15], [sflag:$0x1] =	stream.indirect_vreg.gather [hbm4b:s2+s4], $0x80, v4, vm0, $0xb8;
	[tilespmem:$0xCB80] =	vst v63  }
0x5c: {  	s0 =	rddreg [dreg:$0x6];
	v3 =	vadd.s32 v1, v3  }
0x5d: {  	[tilespmem:s0], [sflag:$0x1] =	stream.indirect_vreg.gather [hbm4b:s8+s4], $0x80, v4, vm0, $0xb8;
	[tilespmem:$0xCB80] =	vst v63  }
0x5e: {  	s1 =	rddreg [dreg:$0x7]  }
0x5f: {  	[tilespmem:s1], [sflag:$0x1] =	stream.indirect_vreg.gather [hbm4b:s9+s4], $0x80, v4, vm0, $0xb8;
	[tilespmem:$0xCB80] =	vst v63  }
0x60: {  	s12 =	rddreg [dreg:$0x8]  }
0x61: {  	[tilespmem:s12], [sflag:$0x1] =	stream.indirect_vreg.gather [hbm4b:s2+s4], $0x80, v3, vm0, $0xb8;
	[tilespmem:$0xCB80] =	vst v63  }
0x62: {  	s5 =	rddreg [dreg:$0x9]  }
0x63: {  	[tilespmem:s5], [sflag:$0x1] =	stream.indirect_vreg.gather [hbm4b:s8+s4], $0x80, v3, vm0, $0xb8;
	[tilespmem:$0xCB80] =	vst v63  }
0x64: {  	s12 =	rddreg [dreg:$0xa]  }
0x65: {  	[tilespmem:s12], [sflag:$0x1] =	stream.indirect_vreg.gather [hbm4b:s9+s4], $0x80, v3, vm0, $0xb8;
	[tilespmem:$0xCB80] =	vst v63  }
0x66: {  	v3 =	vld [tilespmem:$0xB10];
	_ =	sdelay $0x4  }
0x67: {  	v61 =	vshrl.u32 v3, $0x3  }
0x68: {  	v4 =	vmul.u32 $0x30, v61  }
0x69: {  	v3 =	vand.u32 $0x7, v3  }
0x6a: {  	v3 =	vor.u32 v3, v4  }
0x6b: {  	v4 =	vperm.xlane v3, v0;
	_ =	sdelay $0x1  }
0x6c: {  	v4 =	vadd.s32 v1, v4;
	_ =	sdelay $0x3  }
0x6d: {  	s5 =	rddreg [dreg:$0xb];
	v3 =	vperm.xlane v3, v2  }
0x6e: {  	[tilespmem:s5], [sflag:$0x1] =	stream.indirect_vreg.gather [hbm4b:s2+s4], $0x80, v4, vm0, $0xb8;
	[tilespmem:$0xCB80] =	vst v63  }
0x6f: {  	s12 =	rddreg [dreg:$0xc];
	v3 =	vadd.s32 v1, v3  }
0x70: {  	[tilespmem:s12], [sflag:$0x1] =	stream.indirect_vreg.gather [hbm4b:s8+s4], $0x80, v4, vm0, $0xb8;
	[tilespmem:$0xCB80] =	vst v63  }
0x71: {  	s5 =	rddreg [dreg:$0xd]  }
0x72: {  	[tilespmem:s5], [sflag:$0x1] =	stream.indirect_vreg.gather [hbm4b:s9+s4], $0x80, v4, vm0, $0xb8;
	[tilespmem:$0xCB80] =	vst v63  }
0x73: {  	s12 =	rddreg [dreg:$0xe]  }
0x74: {  	[tilespmem:s12], [sflag:$0x1] =	stream.indirect_vreg.gather [hbm4b:s2+s4], $0x80, v3, vm0, $0xb8;
	[tilespmem:$0xCB80] =	vst v63  }
0x75: {  	s5 =	rddreg [dreg:$0xf]  }
0x76: {  	[tilespmem:s5], [sflag:$0x1] =	stream.indirect_vreg.gather [hbm4b:s8+s4], $0x80, v3, vm0, $0xb8;
	[tilespmem:$0xCB80] =	vst v63  }
0x77: {  	s12 =	rddreg [dreg:$0x10]  }
0x78: {  	[tilespmem:s12], [sflag:$0x1] =	stream.indirect_vreg.gather [hbm4b:s9+s4], $0x80, v3, vm0, $0xb8;
	[tilespmem:$0xCB80] =	vst v63  }
0x79: {  	v3 =	vld [tilespmem:$0xB20];
	_ =	sdelay $0x4  }
0x7a: {  	v62 =	vshrl.u32 v3, $0x3  }
0x7b: {  	v4 =	vmul.u32 $0x30, v62  }
0x7c: {  	v3 =	vand.u32 $0x7, v3  }
0x7d: {  	v3 =	vor.u32 v3, v4  }
0x7e: {  	v4 =	vperm.xlane v3, v0;
	_ =	sdelay $0x1  }
0x7f: {  	v4 =	vadd.s32 v1, v4;
	_ =	sdelay $0x3  }
0x80: {  	s1 =	rddreg [dreg:$0x11];
	v3 =	vperm.xlane v3, v2  }
0x81: {  	[tilespmem:s1], [sflag:$0x1] =	stream.indirect_vreg.gather [hbm4b:s2+s4], $0x80, v4, vm0, $0xb8;
	[tilespmem:$0xCB80] =	vst v63  }
0x82: {  	s5 =	rddreg [dreg:$0x12];
	v3 =	vadd.s32 v1, v3  }
0x83: {  	[tilespmem:s5], [sflag:$0x1] =	stream.indirect_vreg.gather [hbm4b:s8+s4], $0x80, v4, vm0, $0xb8;
	[tilespmem:$0xCB80] =	vst v63  }
0x84: {  	_ = 	snop  }
0x85: {  	[tilespmem:s16], [sflag:$0x1] =	stream.indirect_vreg.gather [hbm4b:s9+s4], $0x80, v4, vm0, $0xb8;
	[tilespmem:$0xCB80] =	vst v63  }
0x86: {  	_ = 	snop  }
0x87: {  	[tilespmem:s17], [sflag:$0x1] =	stream.indirect_vreg.gather [hbm4b:s2+s4], $0x80, v3, vm0, $0xb8;
	[tilespmem:$0xCB80] =	vst v63  }
0x88: {  	_ = 	snop  }
0x89: {  	[tilespmem:s18], [sflag:$0x1] =	stream.indirect_vreg.gather [hbm4b:s8+s4], $0x80, v3, vm0, $0xb8;
	[tilespmem:$0xCB80] =	vst v63  }
0x8a: {  	_ = 	snop  }
0x8b: {  	[tilespmem:s19], [sflag:$0x1] =	stream.indirect_vreg.gather [hbm4b:s9+s4], $0x80, v3, vm0, $0xb8;
	[tilespmem:$0xCB80] =	vst v63  }
0x8c: {  	v3 =	vld [tilespmem:$0xB30];
	_ =	sdelay $0x4  }
0x8d: {  	v63 =	vshrl.u32 v3, $0x3  }
0x8e: {  	v4 =	vmul.u32 $0x30, v63  }
0x8f: {  	v3 =	vand.u32 $0x7, v3  }
0x90: {  	v3 =	vor.u32 v3, v4  }
0x91: {  	v4 =	vperm.xlane v3, v0;
	_ =	sdelay $0x1  }
0x92: {  	v4 =	vadd.s32 v1, v4;
	_ =	sdelay $0x3  }
0x93: {  	v3 =	vperm.xlane v3, v2  }
0x94: {  	[tilespmem:s20], [sflag:$0x1] =	stream.indirect_vreg.gather [hbm4b:s2+s4], $0x80, v4, vm0, $0xb8;
	[tilespmem:$0xCB80] =	vst v63  }
0x95: {  	v3 =	vadd.s32 v1, v3  }
0x96: {  	[tilespmem:s21], [sflag:$0x1] =	stream.indirect_vreg.gather [hbm4b:s8+s4], $0x80, v4, vm0, $0xb8;
	[tilespmem:$0xCB80] =	vst v63  }
0x97: {  	_ = 	snop  }
0x98: {  	[tilespmem:s22], [sflag:$0x1] =	stream.indirect_vreg.gather [hbm4b:s9+s4], $0x80, v4, vm0, $0xb8;
	[tilespmem:$0xCB80] =	vst v63  }
0x99: {  	_ = 	snop  }
0x9a: {  	[tilespmem:s23], [sflag:$0x1] =	stream.indirect_vreg.gather [hbm4b:s2+s4], $0x80, v3, vm0, $0xb8;
	[tilespmem:$0xCB80] =	vst v63  }
0x9b: {  	_ = 	snop  }
0x9c: {  	[tilespmem:s24], [sflag:$0x1] =	stream.indirect_vreg.gather [hbm4b:s8+s4], $0x80, v3, vm0, $0xb8;
	[tilespmem:$0xCB80] =	vst v63  }
0x9d: {  	s0 =	sshrl.u32 s29, $0x3  }
0x9e: {  	[tilespmem:s25], [sflag:$0x1] =	stream.indirect_vreg.gather [hbm4b:s9+s4], $0x80, v3, vm0, $0xb8;
	[tilespmem:$0xCB80] =	vst v63  }
0x9f: {  	s5 =	smul.u32 $0x300, s0;
	_ =	swait.ge [sflag:s14], $0xC000  }
0xa0: {  	s12 =	rddreg [dreg:$0x3];
	[sflag:s14] =	ssyncset.done $0x0  }
0xa1: {  	[sflag:s14] =	ssyncadd.s32 $0xFFFF4000;
	s1 =	sadd.s32 s12, s5  }
0xa2: {  	[hbm4b:s1+s4] =	stream.linear.scatter [tilespmem:s15], [sflag:$0x2], $0xC000, $0x38;
	[tilespmem:$0xCB80] =	vst v63  }
0xa3: {  	_ =	swait.ge [sflag:s11], $0xC000  }
0xa4: {  	s1 =	sld [smem:$0x7FF];
	_ =	sdelay $0x2  }
0xa5: {  	p1 =	sne.s32 @!p0 s1, $0x1  }
0xa6: {  	s5 =	rddreg [dreg:$0x5];
	[sflag:s11] =	ssyncset.done $0x0;
	p1 =	por !p1, p0  }
0xa7: {  	[sflag:s11] =	ssyncadd.s32 $0xFFFF4000;
	s1 =	sor.u32 @!p1 $0x100000, s5  }
0xa8: {  	[smem:s1], [sflag:$0x0] =	smem.add.s32 @!p1 $0x7F;
	s1 =	simm.s32 @!p1 $0x0  }
0xa9: {  	s5 =	simm.s32 @!p1 $0x1;
	_ =	swait.done @!p1 [sflag:s1]  }
0xaa: {  	[smem:$0x7FF] =	sst @!p1 s5  }
0xab: {  	_ =	sint @!p1 $0x2  }
0xac: {  	s28 =	sadd.s32 $0xFFFFFFFF, s28;
	_ =	swait.notdone @!p1 [sflag:s1]  }
0xad: {  	p1 =	sne.s32 s28, $0x0;
	s1 =	rddreg [dreg:$0x4]  }
.Ltmp4:
0xae: {  	s0 =	sadd.s32 s1, s0;
	(pc) =	sbr.rel @p1 .LBB2_5-.Ltmp4, $4  }
0xaf: {  	[hbm4b:s0+s4] =	stream.linear.scatter [tilespmem:s31], [sflag:$0x2], $0x40, $0x38;
	[tilespmem:$0xCB80] =	vst v63  }
0xb0: {  	_ =	swait.ge [sflag:s11], $0x40  }
0xb1: {  	s30 =	sadd.s32 $0x40, s30;
	[sflag:s11] =	ssyncset.done $0x0  }
0xb2: {  	s29 =	sadd.s32 $0x40, s29;
	s31 =	sadd.s32 $0x40, s31;
	[sflag:s11] =	ssyncadd.s32 $0xFFFFFFC0  }
.Ltmp5:
0xb3: {  	_ = 	snop;
	(pc) =	sbr.rel .LBB2_6-.Ltmp5, $1  }
0xb4: {  	_ =	sdelay $0x3  }
.LBB2_7:
0xb5: {  	_ =	sfence.sel $0x180000  }
0xb6: {  	[bflag:$0x0] =	sbarrier.arrive $0xFFFF  }
0xb7: {  	_ =	strace $0x9000004A  }
0xb8: {  	s0 =	stileid.u32;
	[bflag:$0x2] =	sbarrier.arrive $0xFFFF  }
0xb9: {  	p0 =	sne.s32 s0, $0x0;
	s0 =	rddreg [dreg:$0x2]  }
0xba: {  	s0 =	sadd.s32 @!p0 $0x100000, s0  }
0xbb: {  	[sflag:s0] =	ssyncadd.tile.s32 @!p0 $0x1;
	_ =	shalt  }
.Lfunc_end2:
_tile_overlayer_lowered:
.L_overlay_start_2:
0xbc: {  	(tag) =	ssettag $0x2  }
0xbd: {  	s0 =	rddreg [dreg:$0x0];
	s2 =	stileid.u32  }
0xbe: {  	s1 =	rddreg [dreg:$0x1];
	p0 =	sne.s32 s2, $0x0  }
0xbf: {  	s3 =	rddreg [dreg:$0x2];
	[bflag:$0x3] =	sbarrier.arrive $0xFFFF;
	s2 =	simm.s32 @!p0 $0x1C02  }
0xc0: {  	[timem:s3], [sflag:s2] =	dma.local @!p0 [hbm:s0], s1  }
0xc1: {  	s0 =	simm.s32 @!p0 $0x2  }
0xc2: {  	_ =	swait.ge @!p0 [sflag:s0], s1  }
0xc3: {  	s1 =	ssub.s32 @!p0 $0x0, s1;
	[sflag:s0] =	ssyncset.done @!p0 $0x0  }
0xc4: {  	[sflag:s0] =	ssyncadd.s32 @!p0 s1  }
0xc5: {  	[bflag:$0x3] =	sbarrier.arrive $0xFFFF  }
0xc6: {  	_ =	shalt  }

// kernel: kernel.13.cloned.1.call-start
scs
__scs_entry_jumppad:
0x0: {  	(pc) =	sbr.rel $0x88, $3  }
0x1: {  	(tag) =	ssettag $0x0;
	lr =	simm.s32 $0x1  }
0x2: {  	[smem:$0x3F9A] =	sst lr;
	_ =	strace $0xD0000000  }
0x3: {  	_ = 	snop  }
0x4: {  	_ = 	snop  }
0x5: {  	_ = 	snop  }
0x6: {  	_ = 	snop  }
0x7: {  	_ = 	snop  }
__scs_overlays_trampoline_lowered:
0x8: {  	[smem:$0x3FA9] =	sst s0  }
0x9: {  	[smem:$0x3FAA] =	sst s1  }
0xa: {  	[smem:$0x3FAB] =	sst s2  }
0xb: {  	[smem:$0x3FAC] =	sst s3  }
0xc: {  	[smem:$0x3FAD] =	sst s4  }
0xd: {  	[smem:$0x3FAE] =	sst s5  }
0xe: {  	[smem:$0x3FAF] =	sst s6  }
0xf: {  	[smem:$0x3FB0] =	sst s7  }
0x10: {  	[smem:$0x3FB1] =	sst s8  }
0x11: {  	[smem:$0x3FB2] =	sst s9;
	s0 =	simm.s32 @!p0 $0x0  }
0x12: {  	s1 =	sld [smem:$0x3F98];
	s0 =	simm.s32 @p0 $0x1  }
0x13: {  	[smem:$0x3FB3] =	sst s0;
	s0 =	simm.s32 @!p1 $0x0  }
0x14: {  	s2 =	sld [smem:$0x3F97];
	s0 =	simm.s32 @p1 $0x1  }
0x15: {  	[smem:$0x3FB4] =	sst s0;
	s0 =	simm.s32 @!p2 $0x0  }
0x16: {  	s3 =	sld [smem:$0x3FDB];
	s0 =	simm.s32 @p2 $0x1  }
0x17: {  	s4 =	simm.s32 $0x1BF5;
	[smem:$0x3FB6] =	sst s0  }
0x18: {  	s0 =	sld [smem:$0x3F99];
	_ =	swait.ge [sflag:s4], $0x0  }
0x19: {  	s7 =	sld [smem:$0x3F9A]  }
0x1a: {  	s8 =	sadd.s32 $0xFFFFE003, lr  }
0x1b: {  	s9 =	sadd.s32 $0xFFFFFEF7, lr;
	s5 =	simm.s32 $0xFFFFFFFF;
	p2 =	slt.u32 s8, $0xFFFFF086  }
0x1c: {  	p1 =	slt.u32 s9, $0xF7A;
	s5 =	simm.s32 @!p2 $0x0  }
0x1d: {  	s5 =	simm.s32 @p1 $0x1;
	p0 =	seq.s32 s7, s2  }
0x1e: {  	s7 =	smul.u32 @!p0 $0xF7A, s2;
	p2 =	seq.s32 @!p0 s5, $0x0  }
0x1f: {  	s9 =	smul.u32 $0xF7A, s1;
	s8 =	simm.s32 @!p0 $0x1BF5;
	p2 =	por !p2, p0  }
0x20: {  	[sflag:s8] =	ssyncset.s32 @!p0 $0xFFFFF086;
	s6 =	sadd.s32 @!p0 s3, s7;
	s7 =	simm.s32 @!p0 $0x108  }
0x21: {  	s3 =	sadd.s32 s3, s9;
	s6 =	sadd.s32 @!p0 $0x88, s6;
	s7 =	simm.s32 @p2 $0x1082  }
0x22: {  	[simem:s7], [sflag:s8] =	dma.local @!p0 [hbm:s6], $0xF7A  }
0x23: {  	s9 =	sor.u32 $0xD0000000, s2;
	s6 =	simm.s32 $0x108;
	_ =	swait.ge @!p0 [sflag:s8], $0x0  }
0x24: {  	s3 =	sadd.s32 $0x88, s3;
	s6 =	simm.s32 @!p1 $0x1082;
	[sflag:s4] =	ssyncset.s32 $0xFFFFF086  }
0x25: {  	[simem:s6], [sflag:s4] =	dma.local [hbm:s3], $0xF7A  }
0x26: {  	[smem:$0x3F9A] =	sst s1;
	(tag) =	ssettag s2;
	_ =	strace s9  }
0x27: {  	s1 =	sld [smem:$0x3FAA]  }
0x28: {  	s2 =	sld [smem:$0x3FAB]  }
0x29: {  	s4 =	sld [smem:$0x3FAD]  }
0x2a: {  	p0 =	seq.s32 s5, $0x0;
	s5 =	sld [smem:$0x3FAE]  }
0x2b: {  	s6 =	sld [smem:$0x3FAF]  }
0x2c: {  	s7 =	sld [smem:$0x3FB0]  }
0x2d: {  	s3 =	simm.s32 $0x108;
	s8 =	sld [smem:$0x3FB1]  }
0x2e: {  	s3 =	simm.s32 @!p0 $0x1082;
	s9 =	sld [smem:$0x3FB2]  }
0x2f: {  	lr =	sadd.s32 s0, s3;
	s0 =	sld [smem:$0x3FA9]  }
0x30: {  	s3 =	sld [smem:$0x3FAC]  }
0x31: {  	[smem:$0x3FB5] =	sst s10  }
0x32: {  	s10 =	sld [smem:$0x3FB3];
	_ =	sdelay $0x3  }
0x33: {  	p0 =	seq.s32 s10, $0x1;
	s10 =	sld [smem:$0x3FB5];
	_ =	sdelay $0x3  }
0x34: {  	[smem:$0x3FB5] =	sst s10  }
0x35: {  	s10 =	sld [smem:$0x3FB4];
	_ =	sdelay $0x3  }
0x36: {  	p1 =	seq.s32 s10, $0x1;
	s10 =	sld [smem:$0x3FB5];
	_ =	sdelay $0x3  }
0x37: {  	[smem:$0x3FB5] =	sst s10  }
0x38: {  	s10 =	sld [smem:$0x3FB6]  }
0x39: {  	_ = 	snop;
	(pc) =	sbr.ind lr, $3  }
0x3a: {  	_ = 	snop  }
0x3b: {  	_ = 	snop  }
0x3c: {  	p2 =	seq.s32 s10, $0x1;
	s10 =	sld [smem:$0x3FB5]  }
0x3d: {  	_ =	shalt  }
0x3e: {  	_ =	shalt  }
0x3f: {  	_ =	shalt  }
0x40: {  	_ =	shalt  }
0x41: {  	_ =	shalt  }
0x42: {  	_ =	shalt  }
0x43: {  	_ =	shalt  }
0x44: {  	_ =	shalt  }
0x45: {  	_ =	shalt  }
0x46: {  	_ =	shalt  }
0x47: {  	_ =	shalt  }
0x48: {  	_ =	shalt  }
0x49: {  	_ =	shalt  }
0x4a: {  	_ =	shalt  }
0x4b: {  	_ =	shalt  }
0x4c: {  	_ =	shalt  }
0x4d: {  	_ =	shalt  }
0x4e: {  	_ =	shalt  }
0x4f: {  	_ =	shalt  }
0x50: {  	_ =	shalt  }
0x51: {  	_ =	shalt  }
0x52: {  	_ =	shalt  }
0x53: {  	_ =	shalt  }
0x54: {  	_ =	shalt  }
0x55: {  	_ =	shalt  }
0x56: {  	_ =	shalt  }
0x57: {  	_ =	shalt  }
0x58: {  	_ =	shalt  }
0x59: {  	_ =	shalt  }
0x5a: {  	_ =	shalt  }
0x5b: {  	_ =	shalt  }
0x5c: {  	_ =	shalt  }
0x5d: {  	_ =	shalt  }
0x5e: {  	_ =	shalt  }
0x5f: {  	_ =	shalt  }
0x60: {  	_ =	shalt  }
0x61: {  	_ =	shalt  }
0x62: {  	_ =	shalt  }
0x63: {  	_ =	shalt  }
0x64: {  	_ =	shalt  }
0x65: {  	_ =	shalt  }
0x66: {  	_ =	shalt  }
0x67: {  	_ =	shalt  }
0x68: {  	_ =	shalt  }
0x69: {  	_ =	shalt  }
0x6a: {  	_ =	shalt  }
0x6b: {  	_ =	shalt  }
0x6c: {  	_ =	shalt  }
0x6d: {  	_ =	shalt  }
0x6e: {  	_ =	shalt  }
0x6f: {  	_ =	shalt  }
0x70: {  	_ =	shalt  }
0x71: {  	_ =	shalt  }
0x72: {  	_ =	shalt  }
0x73: {  	_ =	shalt  }
0x74: {  	_ =	shalt  }
0x75: {  	_ =	shalt  }
0x76: {  	_ =	shalt  }
0x77: {  	_ =	shalt  }
0x78: {  	_ =	shalt  }
0x79: {  	_ =	shalt  }
0x7a: {  	_ =	shalt  }
0x7b: {  	_ =	shalt  }
0x7c: {  	_ =	shalt  }
0x7d: {  	_ =	shalt  }
0x7e: {  	_ =	shalt  }
0x7f: {  	_ =	shalt  }
0x80: {  	_ =	shalt  }
0x81: {  	_ =	shalt  }
0x82: {  	_ =	shalt  }
0x83: {  	_ =	shalt  }
0x84: {  	_ =	shalt  }
0x85: {  	_ =	shalt  }
0x86: {  	_ =	shalt  }
0x87: {  	_ =	shalt  }
.Lfunc_end0:
.L_simem_size_0:
called_computation.2_lowered:
.L_overlay_start_0:
0x88: {  	s2 =	sld [smem:$0x3FD9]  }
0x89: {  	s3 =	sld [smem:$0x3FFE];
	_ =	sdelay $0x1  }
0x8a: {  	s1 =	srdreg.scid  }
0x8b: {  	s0 =	sand.u32 $0x1, s1  }
0x8c: {  	s18 =	sshll.u32 s0, $0xA;
	s2 =	sadd.s32 s3, s2  }
0x8d: {  	s2 =	sadd.s32 s2, s18  }
0x8e: {  	[smem:$0x3FC1] =	sst s2  }
0x8f: {  	_ = 	snop  }
0x90: {  	s19 =	sld [smem:$0x3FD0];
	(tm) =	ssettm $0x1  }
0x91: {  	s20 =	sld [smem:$0x3FFB];
	_ =	sdelay $0x3  }
0x92: {  	_ =	strace s20  }
0x93: {  	s2 =	sld [smem:$0x3FFC];
	_ =	sdelay $0x3  }
0x94: {  	_ =	strace s2  }
0x95: {  	s2 =	sld [smem:$0x3FFD];
	_ =	sdelay $0x3  }
0x96: {  	_ =	strace s2  }
0x97: {  	_ =	strace $0x8FFFFFFF  }
0x98: {  	s21 =	sld [smem:$0x3FDB];
	_ =	sdelay $0x1  }
0x99: {  	s4 =	simm.s32 $_scs_section_size  }
0x9a: {  	s5 =	simm.s32 $_size__tile_overlayer_lowered;
	s6 =	simm.s32 $_tile_overlayer_lowered  }
0x9b: {  	s7 =	simm.s32 $0x1BFF;
	s22 =	sshll.u32 s6, $0x1;
	s4 =	sadd.s32 s4, s21  }
0x9c: {  	s23 =	simm.s32 $0x0;
	s5 =	sshll.u32 s5, $0x1;
	s6 =	sadd.s32 s22, s4  }
0x9d: {  	[timem:s23], [sflag:s7] =	dma.local [hbm:s6], s5  }
0x9e: {  	_ =	swait.ge [sflag:s7], s5  }
0x9f: {  	s5 =	ssub.s32 $0x0, s5;
	[sflag:s7] =	ssyncset.done $0x0  }
0xa0: {  	[sflag:s7] =	ssyncadd.s32 s5;
	_ =	sdelay $0x1  }
0xa1: {  	s24 =	simm.s32 $0x1B8B  }
0xa2: {  	_ =	swait.ge [sflag:s24], $0x1  }
0xa3: {  	[sflag:s24] =	ssyncset.done $0x0  }
0xa4: {  	[sflag:s24] =	ssyncadd.s32 $0xFFFFFFFF  }
0xa5: {  	s5 =	sld [smem:$0x0]  }
0xa6: {  	s6 =	sand.u32 $0xFFFFFFFE, s1  }
0xa7: {  	p0 =	sne.s32 s1, s6  }
0xa8: {  	s6 =	sshll.u32 @p0 s6, $0xE  }
0xa9: {  	s6 =	sadd.s32 @p0 $0x11B8D, s6;
	s7 =	sshll.u32 @p0 s5, $0x11  }
0xaa: {  	s6 =	sor.u32 @p0 s7, s6  }
0xab: {  	[sflag:s6] =	ssyncadd.remote.s32 @p0 $0x1;
	_ =	sdelay $0x1  }
0xac: {  	s6 =	simm.s32 @p0 $0x1B8D  }
0xad: {  	_ =	swait.eq @p0 [sflag:s6], $0x1  }
0xae: {  	[sflag:s6] =	ssyncadd.s32 @p0 $0xFFFFFFFF  }
0xaf: {  	s7 =	sshll.u32 @!p0 s1, $0xE  }
0xb0: {  	s7 =	sor.u32 @!p0 $0x4000, s7;
	s6 =	simm.s32 @!p0 $0x1B8D  }
0xb1: {  	s5 =	sshll.u32 @!p0 s5, $0x11;
	s7 =	sadd.s32 @!p0 $0x11B8D, s7;
	_ =	swait.eq @!p0 [sflag:s6], $0x1  }
0xb2: {  	s5 =	sor.u32 @!p0 s5, s7;
	[sflag:s6] =	ssyncadd.s32 @!p0 $0xFFFFFFFF  }
0xb3: {  	s25 =	simm.s32 $0x1B8E;
	[sflag:s5] =	ssyncadd.remote.s32 @!p0 $0x1  }
0xb4: {  	s26 =	simm.s32 $execute0_lowered;
	[smem:$0x3FD2] =	sst s25  }
0xb5: {  	s5 =	sshll.u32 s26, $0x1;
	_ =	strace $0x8000004C;
	[dreg:$0x1] =	wrdreg $0xFFFFFFFF  }
0xb6: {  	s28 =	simm.s32 $_size_execute0_lowered;
	s4 =	sadd.s32 s4, s5;
	[dreg:$0x0] =	wrdreg $0x0  }
0xb7: {  	s5 =	sshll.u32 s28, $0x1;
	[dreg:$0x2] =	wrdreg s4  }
0xb8: {  	[dreg:$0x3] =	wrdreg s5  }
0xb9: {  	[dreg:$0x4] =	wrdreg $0xC0  }
0xba: {  	_ =	task [dreg:s23], $0x5FFFF  }
0xbb: {  	[dreg:$0x1] =	wrdreg $0xFFFFFFFF  }
0xbc: {  	[dreg:$0x0] =	wrdreg $0x60  }
0xbd: {  	[dreg:$0x2] =	wrdreg s19  }
0xbe: {  	[dreg:$0x3] =	wrdreg $0xA  }
0xbf: {  	_ =	task.clear_ibuf [dreg:s23], $0x4FFFF;
	_ =	strace $0x9000004C  }
0xc0: {  	s29 =	simm.s32 $0xA;
	_ =	strace $0x8000004E  }
0xc1: {  	_ =	swait.ge [sflag:s29], $0x1  }
0xc2: {  	[sflag:s29] =	ssyncadd.s32 $0xFFFFFFFF  }
0xc3: {  	_ =	strace $0x9000004E  }
0xc4: {  	_ =	sfence  }
0xc5: {  	s30 =	sld [smem:$0x0];
	_ =	sdelay $0x2  }
0xc6: {  	s31 =	sshll.u32 s1, $0xD;
	s1 =	sshrl.u32 s1, $0x2  }
0xc7: {  	s4 =	sand.u32 $0x4000, s31;
	s1 =	sadd.s32 s1, s30  }
0xc8: {  	s0 =	sor.u32 s4, s0;
	s1 =	sshll.u32 s1, $0x11  }
0xc9: {  	s0 =	sor.u32 s1, s0  }
0xca: {  	s0 =	sadd.s32 $0x8F2B, s0  }
0xcb: {  	[sflag:s0] =	ssyncadd.remote.s32 $0x1  }
0xcc: {  	_ =	sfence.sel $0xFFFF  }
0xcd: {  	[dreg:$0x0] =	wrdreg $0xFFFFFFFF;
	(pc) =	sbr.abs _section_cstart, $3  }
0xce: {  	[dreg:$0x1] =	wrdreg $0xFFFFFFFF  }
0xcf: {  	_ =	task.clear_ibuf [dreg:s23], $0x2FFFF;
	_ =	strace $0x9FFFFFFF  }
0xd0: {  	(tm) =	ssettm $0x7FFFFFFF  }
0xd1: {  	_ =	shalt  }
tec
execute0_lowered:
.L_overlay_start_1:
0x0: {  	(tag) =	ssettag $0x1  }
0x1: {  	s0 =	srdreg.scid  }
0x2: {  	s4 =	rddreg [dreg:$0x0];
	s1 =	stileid.u32  }
0x3: {  	s2 =	simm.s32 $0x0;
	s3 =	sand.u32 $0x1, s0;
	s7 =	smul.u32 $0x30000, s1  }
0x4: {  	s0 =	rddreg [dreg:$0x1];
	s5 =	ssub.s32 $0x2, s3;
	s31 =	smul.u32 $0x18000, s3  }
0x5: {  	[smem:$0x7FF] =	sst s2;
	s6 =	sshrl.u32 s5, $0x1;
	s4 =	sadd.s32 s7, s4  }
0x6: {  	_ =	strace $0x8000004D;
	s5 =	ssub.s32 s5, s6;
	s4 =	sadd.s32 s31, s4  }
0x7: {  	v0 =	vimm.f32 $0.0e+00;
	s6 =	simm.s32 $0x0;
	s3 =	smax.u32 s5, $0x1;
	s5 =	simm.s32 $0x1  }
.LBB2_1:
0x8: {  	s7 =	simm.s32 $0x0  }
0x9: {  	s7 =	smul.u32 $0x6000, s7;
	_ =	sdelay $0x1  }
0xa: {  	s8 =	sand.u32 $0x380, s2;
	s7 =	sshra.s32 s7, $0x2  }
0xb: {  	s7 =	sor.u32 s8, s7  }
0xc: {  	[tilespmem:s7+$0x1470] =	vst v0  }
0xd: {  	[tilespmem:s7+$0x0] =	vst v0  }
0xe: {  	[tilespmem:s7+$0x10] =	vst v0  }
0xf: {  	[tilespmem:s7+$0x20] =	vst v0  }
0x10: {  	[tilespmem:s7+$0x30] =	vst v0  }
0x11: {  	[tilespmem:s7+$0x40] =	vst v0  }
0x12: {  	[tilespmem:s7+$0x50] =	vst v0  }
0x13: {  	[tilespmem:s7+$0x60] =	vst v0  }
0x14: {  	[tilespmem:s7+$0x70] =	vst v0  }
0x15: {  	[tilespmem:s7+$0x400] =	vst v0  }
0x16: {  	[tilespmem:s7+$0x410] =	vst v0  }
0x17: {  	[tilespmem:s7+$0x420] =	vst v0  }
0x18: {  	[tilespmem:s7+$0x430] =	vst v0  }
0x19: {  	[tilespmem:s7+$0x440] =	vst v0  }
0x1a: {  	[tilespmem:s7+$0x450] =	vst v0  }
0x1b: {  	[tilespmem:s7+$0x460] =	vst v0  }
0x1c: {  	[tilespmem:s7+$0x470] =	vst v0  }
0x1d: {  	[tilespmem:s7+$0x800] =	vst v0  }
0x1e: {  	[tilespmem:s7+$0x810] =	vst v0  }
0x1f: {  	[tilespmem:s7+$0x820] =	vst v0  }
0x20: {  	[tilespmem:s7+$0x830] =	vst v0  }
0x21: {  	[tilespmem:s7+$0x840] =	vst v0  }
0x22: {  	[tilespmem:s7+$0x850] =	vst v0  }
0x23: {  	[tilespmem:s7+$0x860] =	vst v0  }
0x24: {  	[tilespmem:s7+$0x870] =	vst v0  }
0x25: {  	[tilespmem:s7+$0xC00] =	vst v0  }
0x26: {  	[tilespmem:s7+$0xC10] =	vst v0  }
0x27: {  	[tilespmem:s7+$0xC20] =	vst v0  }
0x28: {  	[tilespmem:s7+$0xC30] =	vst v0  }
0x29: {  	[tilespmem:s7+$0xC40] =	vst v0  }
0x2a: {  	[tilespmem:s7+$0xC50] =	vst v0  }
0x2b: {  	[tilespmem:s7+$0xC60] =	vst v0  }
0x2c: {  	[tilespmem:s7+$0xC70] =	vst v0  }
0x2d: {  	[tilespmem:s7+$0x1000] =	vst v0  }
0x2e: {  	[tilespmem:s7+$0x1010] =	vst v0  }
0x2f: {  	[tilespmem:s7+$0x1020] =	vst v0  }
0x30: {  	[tilespmem:s7+$0x1030] =	vst v0  }
0x31: {  	[tilespmem:s7+$0x1040] =	vst v0  }
0x32: {  	[tilespmem:s7+$0x1050] =	vst v0  }
0x33: {  	[tilespmem:s7+$0x1060] =	vst v0  }
0x34: {  	[tilespmem:s7+$0x1070] =	vst v0  }
0x35: {  	[tilespmem:s7+$0x1400] =	vst v0  }
0x36: {  	[tilespmem:s7+$0x1410] =	vst v0  }
0x37: {  	s10 =	simm.s32 $0x0;
	s9 =	simm.s32 $0x2;
	s8 =	simm.s32 $0x0;
	[tilespmem:s7+$0x1420] =	vst v0  }
.LBB2_2:
0x38: {  	p0 =	sne.s32 s9, $0x3F;
	s10 =	smul.u32 $0x6000, s10;
	[tilespmem:s7+$0x1430] =	vst v0  }
0x39: {  	s8 =	sadd.s32 $0x80, s8;
	[tilespmem:s7+$0x1440] =	vst v0  }
0x3a: {  	s11 =	sand.u32 $0x380, s8;
	s10 =	sshra.s32 s10, $0x2;
	[tilespmem:s7+$0x1450] =	vst v0  }
0x3b: {  	[tilespmem:s7+$0x1460] =	vst v0;
	s7 =	sor.u32 s11, s10  }
0x3c: {  	[tilespmem:s7+$0x1470] =	vst v0  }
0x3d: {  	[tilespmem:s7+$0x0] =	vst v0  }
0x3e: {  	[tilespmem:s7+$0x10] =	vst v0  }
0x3f: {  	[tilespmem:s7+$0x20] =	vst v0  }
0x40: {  	[tilespmem:s7+$0x30] =	vst v0  }
0x41: {  	[tilespmem:s7+$0x40] =	vst v0  }
0x42: {  	[tilespmem:s7+$0x50] =	vst v0  }
0x43: {  	[tilespmem:s7+$0x60] =	vst v0  }
0x44: {  	[tilespmem:s7+$0x70] =	vst v0  }
0x45: {  	[tilespmem:s7+$0x400] =	vst v0  }
0x46: {  	[tilespmem:s7+$0x410] =	vst v0  }
0x47: {  	[tilespmem:s7+$0x420] =	vst v0  }
0x48: {  	[tilespmem:s7+$0x430] =	vst v0  }
0x49: {  	[tilespmem:s7+$0x440] =	vst v0  }
0x4a: {  	[tilespmem:s7+$0x450] =	vst v0  }
0x4b: {  	[tilespmem:s7+$0x460] =	vst v0  }
0x4c: {  	[tilespmem:s7+$0x470] =	vst v0  }
0x4d: {  	[tilespmem:s7+$0x800] =	vst v0  }
0x4e: {  	[tilespmem:s7+$0x810] =	vst v0  }
0x4f: {  	[tilespmem:s7+$0x820] =	vst v0  }
0x50: {  	[tilespmem:s7+$0x830] =	vst v0  }
0x51: {  	[tilespmem:s7+$0x840] =	vst v0  }
0x52: {  	[tilespmem:s7+$0x850] =	vst v0  }
0x53: {  	[tilespmem:s7+$0x860] =	vst v0  }
0x54: {  	[tilespmem:s7+$0x870] =	vst v0  }
0x55: {  	[tilespmem:s7+$0xC00] =	vst v0  }
0x56: {  	[tilespmem:s7+$0xC10] =	vst v0  }
0x57: {  	[tilespmem:s7+$0xC20] =	vst v0  }
0x58: {  	[tilespmem:s7+$0xC30] =	vst v0  }
0x59: {  	[tilespmem:s7+$0xC40] =	vst v0  }
0x5a: {  	[tilespmem:s7+$0xC50] =	vst v0  }
0x5b: {  	[tilespmem:s7+$0xC60] =	vst v0  }
0x5c: {  	[tilespmem:s7+$0xC70] =	vst v0  }
0x5d: {  	[tilespmem:s7+$0x1000] =	vst v0  }
0x5e: {  	[tilespmem:s7+$0x1010] =	vst v0  }
0x5f: {  	[tilespmem:s7+$0x1020] =	vst v0  }
0x60: {  	[tilespmem:s7+$0x1030] =	vst v0  }
0x61: {  	[tilespmem:s7+$0x1040] =	vst v0  }
0x62: {  	[tilespmem:s7+$0x1050] =	vst v0  }
.Ltmp0:
0x63: {  	[tilespmem:s7+$0x1060] =	vst v0;
	(pc) =	sbr.rel @p0 .LBB2_2-.Ltmp0, $4  }
0x64: {  	[tilespmem:s7+$0x1070] =	vst v0  }
0x65: {  	[tilespmem:s7+$0x1400] =	vst v0  }
0x66: {  	[tilespmem:s7+$0x1410] =	vst v0  }
0x67: {  	s10 =	sshrl.u32 s9, $0x3;
	s9 =	sadd.s32 $0x1, s9;
	[tilespmem:s7+$0x1420] =	vst v0  }
0x68: {  	s9 =	smul.u32 $0x6000, s10;
	[tilespmem:s7+$0x1430] =	vst v0  }
0x69: {  	[tilespmem:s7+$0x1440] =	vst v0;
	s8 =	sadd.s32 $0x80, s8  }
0x6a: {  	[tilespmem:s7+$0x1450] =	vst v0;
	s8 =	sand.u32 $0x380, s8;
	s9 =	sshra.s32 s9, $0x2  }
0x6b: {  	[tilespmem:s7+$0x1460] =	vst v0;
	s8 =	sor.u32 s8, s9  }
0x6c: {  	[tilespmem:s8+$0x1470] =	vst v0  }
0x6d: {  	[tilespmem:s8+$0x0] =	vst v0  }
0x6e: {  	[tilespmem:s8+$0x10] =	vst v0  }
0x6f: {  	[tilespmem:s8+$0x20] =	vst v0  }
0x70: {  	[tilespmem:s8+$0x30] =	vst v0  }
0x71: {  	[tilespmem:s8+$0x40] =	vst v0  }
0x72: {  	[tilespmem:s8+$0x50] =	vst v0  }
0x73: {  	[tilespmem:s8+$0x60] =	vst v0  }
0x74: {  	[tilespmem:s8+$0x70] =	vst v0  }
0x75: {  	[tilespmem:s8+$0x400] =	vst v0  }
0x76: {  	[tilespmem:s8+$0x410] =	vst v0  }
0x77: {  	[tilespmem:s8+$0x420] =	vst v0  }
0x78: {  	[tilespmem:s8+$0x430] =	vst v0  }
0x79: {  	[tilespmem:s8+$0x440] =	vst v0  }
0x7a: {  	[tilespmem:s8+$0x450] =	vst v0  }
0x7b: {  	[tilespmem:s8+$0x460] =	vst v0  }
0x7c: {  	[tilespmem:s8+$0x470] =	vst v0  }
0x7d: {  	[tilespmem:s8+$0x800] =	vst v0  }
0x7e: {  	[tilespmem:s8+$0x810] =	vst v0  }
0x7f: {  	[tilespmem:s8+$0x820] =	vst v0  }
0x80: {  	[tilespmem:s8+$0x830] =	vst v0  }
0x81: {  	[tilespmem:s8+$0x840] =	vst v0  }
0x82: {  	[tilespmem:s8+$0x850] =	vst v0  }
0x83: {  	[tilespmem:s8+$0x860] =	vst v0  }
0x84: {  	[tilespmem:s8+$0x870] =	vst v0  }
0x85: {  	[tilespmem:s8+$0xC00] =	vst v0  }
0x86: {  	[tilespmem:s8+$0xC10] =	vst v0  }
0x87: {  	[tilespmem:s8+$0xC20] =	vst v0  }
0x88: {  	[tilespmem:s8+$0xC30] =	vst v0  }
0x89: {  	[tilespmem:s8+$0xC40] =	vst v0  }
0x8a: {  	[tilespmem:s8+$0xC50] =	vst v0  }
0x8b: {  	[tilespmem:s8+$0xC60] =	vst v0  }
0x8c: {  	[tilespmem:s8+$0xC70] =	vst v0  }
0x8d: {  	[tilespmem:s8+$0x1000] =	vst v0  }
0x8e: {  	[tilespmem:s8+$0x1010] =	vst v0  }
0x8f: {  	[tilespmem:s8+$0x1020] =	vst v0  }
0x90: {  	[tilespmem:s8+$0x1030] =	vst v0  }
0x91: {  	[tilespmem:s8+$0x1040] =	vst v0  }
0x92: {  	[tilespmem:s8+$0x1050] =	vst v0  }
0x93: {  	[tilespmem:s8+$0x1060] =	vst v0  }
0x94: {  	[tilespmem:s8+$0x1070] =	vst v0  }
0x95: {  	[tilespmem:s8+$0x1400] =	vst v0  }
0x96: {  	[tilespmem:s8+$0x1410] =	vst v0  }
0x97: {  	[tilespmem:s8+$0x1420] =	vst v0  }
0x98: {  	[tilespmem:s8+$0x1430] =	vst v0  }
0x99: {  	[tilespmem:s8+$0x1440] =	vst v0  }
0x9a: {  	[tilespmem:s8+$0x1450] =	vst v0  }
0x9b: {  	s31 =	sadd.s32 $0x0, s4;
	[tilespmem:s8+$0x1460] =	vst v0  }
0x9c: {  	[hbm4b:s31+s2] =	stream.linear.scatter [tilespmem:s2], [sflag:$0x1], $0xC000, $0x38;
	[tilespmem:$0xC000] =	vst v63  }
0x9d: {  	_ =	swait.ge [sflag:s5], $0xC000  }
0x9e: {  	s7 =	simm.s32 $0x1800;
	[sflag:s5] =	ssyncset.done $0x0  }
.LBB2_4:
0x9f: {  	s8 =	sadd.s32 s7, s4;
	[sflag:s5] =	ssyncadd.s32 $0xFFFF4000;
	p0 =	sne.s32 s7, $0x16800  }
0xa0: {  	[hbm4b:s8+s2] =	stream.linear.scatter [tilespmem:s2], [sflag:$0x1], $0xC000, $0x38;
	[tilespmem:$0xC000] =	vst v63  }
.Ltmp1:
0xa1: {  	_ = 	snop;
	(pc) =	sbr.rel @p0 .LBB2_4-.Ltmp1, $4  }
0xa2: {  	_ = 	snop  }
0xa3: {  	s7 =	sadd.s32 $0x1800, s7  }
0xa4: {  	_ =	swait.ge [sflag:s5], $0xC000  }
0xa5: {  	[sflag:s5] =	ssyncset.done $0x0  }
0xa6: {  	s6 =	sadd.s32 $0x1, s6  }
0xa7: {  	p0 =	sne.s32 s6, s3  }
.Ltmp2:
0xa8: {  	_ = 	snop;
	(pc) =	sbr.rel @p0 .LBB2_1-.Ltmp2, $2  }
0xa9: {  	_ =	sdelay $0x2  }
0xaa: {  	[sflag:s5] =	ssyncadd.s32 $0xFFFF4000  }
0xab: {  	_ =	sfence.sel $0x180000  }
0xac: {  	[bflag:$0x0] =	sbarrier.arrive $0xFFFF  }
0xad: {  	p0 =	sne.s32 s1, $0x0;
	_ =	strace $0x9000004D  }
0xae: {  	s0 =	sadd.s32 @!p0 $0x100000, s0;
	[bflag:$0x2] =	sbarrier.arrive $0xFFFF  }
0xaf: {  	[sflag:s0] =	ssyncadd.tile.s32 @!p0 $0x1;
	_ =	shalt  }
.Lfunc_end2:
_tile_overlayer_lowered:
.L_overlay_start_2:
0xb0: {  	(tag) =	ssettag $0x2  }
0xb1: {  	s0 =	rddreg [dreg:$0x0];
	s2 =	stileid.u32  }
0xb2: {  	s1 =	rddreg [dreg:$0x1];
	p0 =	sne.s32 s2, $0x0  }
0xb3: {  	s3 =	rddreg [dreg:$0x2];
	[bflag:$0x3] =	sbarrier.arrive $0xFFFF;
	s2 =	simm.s32 @!p0 $0x1C01  }
0xb4: {  	[timem:s3], [sflag:s2] =	dma.local @!p0 [hbm:s0], s1  }
0xb5: {  	s0 =	simm.s32 @!p0 $0x1  }
0xb6: {  	_ =	swait.ge @!p0 [sflag:s0], s1  }
0xb7: {  	s1 =	ssub.s32 @!p0 $0x0, s1;
	[sflag:s0] =	ssyncset.done @!p0 $0x0  }
0xb8: {  	[sflag:s0] =	ssyncadd.s32 @!p0 s1  }
0xb9: {  	[bflag:$0x3] =	sbarrier.arrive $0xFFFF  }
0xba: {  	_ =	shalt  }

// kernel: kernel.16.cloned.1.call-start
scs
__scs_entry_jumppad:
0x0: {  	(pc) =	sbr.rel $0x88, $3  }
0x1: {  	(tag) =	ssettag $0x0;
	lr =	simm.s32 $0x1  }
0x2: {  	[smem:$0x3F9A] =	sst lr;
	_ =	strace $0xD0000000  }
0x3: {  	_ = 	snop  }
0x4: {  	_ = 	snop  }
0x5: {  	_ = 	snop  }
0x6: {  	_ = 	snop  }
0x7: {  	_ = 	snop  }
__scs_overlays_trampoline_lowered:
0x8: {  	[smem:$0x3FA9] =	sst s0  }
0x9: {  	[smem:$0x3FAA] =	sst s1  }
0xa: {  	[smem:$0x3FAB] =	sst s2  }
0xb: {  	[smem:$0x3FAC] =	sst s3  }
0xc: {  	[smem:$0x3FAD] =	sst s4  }
0xd: {  	[smem:$0x3FAE] =	sst s5  }
0xe: {  	[smem:$0x3FAF] =	sst s6  }
0xf: {  	[smem:$0x3FB0] =	sst s7  }
0x10: {  	[smem:$0x3FB1] =	sst s8  }
0x11: {  	[smem:$0x3FB2] =	sst s9;
	s0 =	simm.s32 @!p0 $0x0  }
0x12: {  	s1 =	sld [smem:$0x3F98];
	s0 =	simm.s32 @p0 $0x1  }
0x13: {  	[smem:$0x3FB3] =	sst s0;
	s0 =	simm.s32 @!p1 $0x0  }
0x14: {  	s2 =	sld [smem:$0x3F97];
	s0 =	simm.s32 @p1 $0x1  }
0x15: {  	[smem:$0x3FB4] =	sst s0;
	s0 =	simm.s32 @!p2 $0x0  }
0x16: {  	s3 =	sld [smem:$0x3FDB];
	s0 =	simm.s32 @p2 $0x1  }
0x17: {  	s4 =	simm.s32 $0x1BF5;
	[smem:$0x3FB6] =	sst s0  }
0x18: {  	s0 =	sld [smem:$0x3F99];
	_ =	swait.ge [sflag:s4], $0x0  }
0x19: {  	s7 =	sld [smem:$0x3F9A]  }
0x1a: {  	s8 =	sadd.s32 $0xFFFFE003, lr  }
0x1b: {  	s9 =	sadd.s32 $0xFFFFFEF7, lr;
	s5 =	simm.s32 $0xFFFFFFFF;
	p2 =	slt.u32 s8, $0xFFFFF086  }
0x1c: {  	p1 =	slt.u32 s9, $0xF7A;
	s5 =	simm.s32 @!p2 $0x0  }
0x1d: {  	s5 =	simm.s32 @p1 $0x1;
	p0 =	seq.s32 s7, s2  }
0x1e: {  	s7 =	smul.u32 @!p0 $0xF7A, s2;
	p2 =	seq.s32 @!p0 s5, $0x0  }
0x1f: {  	s9 =	smul.u32 $0xF7A, s1;
	s8 =	simm.s32 @!p0 $0x1BF5;
	p2 =	por !p2, p0  }
0x20: {  	[sflag:s8] =	ssyncset.s32 @!p0 $0xFFFFF086;
	s6 =	sadd.s32 @!p0 s3, s7;
	s7 =	simm.s32 @!p0 $0x108  }
0x21: {  	s3 =	sadd.s32 s3, s9;
	s6 =	sadd.s32 @!p0 $0x88, s6;
	s7 =	simm.s32 @p2 $0x1082  }
0x22: {  	[simem:s7], [sflag:s8] =	dma.local @!p0 [hbm:s6], $0xF7A  }
0x23: {  	s9 =	sor.u32 $0xD0000000, s2;
	s6 =	simm.s32 $0x108;
	_ =	swait.ge @!p0 [sflag:s8], $0x0  }
0x24: {  	s3 =	sadd.s32 $0x88, s3;
	s6 =	simm.s32 @!p1 $0x1082;
	[sflag:s4] =	ssyncset.s32 $0xFFFFF086  }
0x25: {  	[simem:s6], [sflag:s4] =	dma.local [hbm:s3], $0xF7A  }
0x26: {  	[smem:$0x3F9A] =	sst s1;
	(tag) =	ssettag s2;
	_ =	strace s9  }
0x27: {  	s1 =	sld [smem:$0x3FAA]  }
0x28: {  	s2 =	sld [smem:$0x3FAB]  }
0x29: {  	s4 =	sld [smem:$0x3FAD]  }
0x2a: {  	p0 =	seq.s32 s5, $0x0;
	s5 =	sld [smem:$0x3FAE]  }
0x2b: {  	s6 =	sld [smem:$0x3FAF]  }
0x2c: {  	s7 =	sld [smem:$0x3FB0]  }
0x2d: {  	s3 =	simm.s32 $0x108;
	s8 =	sld [smem:$0x3FB1]  }
0x2e: {  	s3 =	simm.s32 @!p0 $0x1082;
	s9 =	sld [smem:$0x3FB2]  }
0x2f: {  	lr =	sadd.s32 s0, s3;
	s0 =	sld [smem:$0x3FA9]  }
0x30: {  	s3 =	sld [smem:$0x3FAC]  }
0x31: {  	[smem:$0x3FB5] =	sst s10  }
0x32: {  	s10 =	sld [smem:$0x3FB3];
	_ =	sdelay $0x3  }
0x33: {  	p0 =	seq.s32 s10, $0x1;
	s10 =	sld [smem:$0x3FB5];
	_ =	sdelay $0x3  }
0x34: {  	[smem:$0x3FB5] =	sst s10  }
0x35: {  	s10 =	sld [smem:$0x3FB4];
	_ =	sdelay $0x3  }
0x36: {  	p1 =	seq.s32 s10, $0x1;
	s10 =	sld [smem:$0x3FB5];
	_ =	sdelay $0x3  }
0x37: {  	[smem:$0x3FB5] =	sst s10  }
0x38: {  	s10 =	sld [smem:$0x3FB6]  }
0x39: {  	_ = 	snop;
	(pc) =	sbr.ind lr, $3  }
0x3a: {  	_ = 	snop  }
0x3b: {  	_ = 	snop  }
0x3c: {  	p2 =	seq.s32 s10, $0x1;
	s10 =	sld [smem:$0x3FB5]  }
0x3d: {  	_ =	shalt  }
0x3e: {  	_ =	shalt  }
0x3f: {  	_ =	shalt  }
0x40: {  	_ =	shalt  }
0x41: {  	_ =	shalt  }
0x42: {  	_ =	shalt  }
0x43: {  	_ =	shalt  }
0x44: {  	_ =	shalt  }
0x45: {  	_ =	shalt  }
0x46: {  	_ =	shalt  }
0x47: {  	_ =	shalt  }
0x48: {  	_ =	shalt  }
0x49: {  	_ =	shalt  }
0x4a: {  	_ =	shalt  }
0x4b: {  	_ =	shalt  }
0x4c: {  	_ =	shalt  }
0x4d: {  	_ =	shalt  }
0x4e: {  	_ =	shalt  }
0x4f: {  	_ =	shalt  }
0x50: {  	_ =	shalt  }
0x51: {  	_ =	shalt  }
0x52: {  	_ =	shalt  }
0x53: {  	_ =	shalt  }
0x54: {  	_ =	shalt  }
0x55: {  	_ =	shalt  }
0x56: {  	_ =	shalt  }
0x57: {  	_ =	shalt  }
0x58: {  	_ =	shalt  }
0x59: {  	_ =	shalt  }
0x5a: {  	_ =	shalt  }
0x5b: {  	_ =	shalt  }
0x5c: {  	_ =	shalt  }
0x5d: {  	_ =	shalt  }
0x5e: {  	_ =	shalt  }
0x5f: {  	_ =	shalt  }
0x60: {  	_ =	shalt  }
0x61: {  	_ =	shalt  }
0x62: {  	_ =	shalt  }
0x63: {  	_ =	shalt  }
0x64: {  	_ =	shalt  }
0x65: {  	_ =	shalt  }
0x66: {  	_ =	shalt  }
0x67: {  	_ =	shalt  }
0x68: {  	_ =	shalt  }
0x69: {  	_ =	shalt  }
0x6a: {  	_ =	shalt  }
0x6b: {  	_ =	shalt  }
0x6c: {  	_ =	shalt  }
0x6d: {  	_ =	shalt  }
0x6e: {  	_ =	shalt  }
0x6f: {  	_ =	shalt  }
0x70: {  	_ =	shalt  }
0x71: {  	_ =	shalt  }
0x72: {  	_ =	shalt  }
0x73: {  	_ =	shalt  }
0x74: {  	_ =	shalt  }
0x75: {  	_ =	shalt  }
0x76: {  	_ =	shalt  }
0x77: {  	_ =	shalt  }
0x78: {  	_ =	shalt  }
0x79: {  	_ =	shalt  }
0x7a: {  	_ =	shalt  }
0x7b: {  	_ =	shalt  }
0x7c: {  	_ =	shalt  }
0x7d: {  	_ =	shalt  }
0x7e: {  	_ =	shalt  }
0x7f: {  	_ =	shalt  }
0x80: {  	_ =	shalt  }
0x81: {  	_ =	shalt  }
0x82: {  	_ =	shalt  }
0x83: {  	_ =	shalt  }
0x84: {  	_ =	shalt  }
0x85: {  	_ =	shalt  }
0x86: {  	_ =	shalt  }
0x87: {  	_ =	shalt  }
.Lfunc_end0:
.L_simem_size_0:
called_computation.3_lowered:
.L_overlay_start_0:
0x88: {  	s2 =	sld [smem:$0x3FD9]  }
0x89: {  	s3 =	sld [smem:$0x3FFE];
	_ =	sdelay $0x1  }
0x8a: {  	s1 =	srdreg.scid  }
0x8b: {  	s0 =	sand.u32 $0x1, s1  }
0x8c: {  	s17 =	sshll.u32 s0, $0xA;
	s2 =	sadd.s32 s3, s2  }
0x8d: {  	s2 =	sadd.s32 s2, s17  }
0x8e: {  	[smem:$0x3FC1] =	sst s2  }
0x8f: {  	_ = 	snop  }
0x90: {  	s2 =	sld [smem:$0x3FD0];
	(tm) =	ssettm $0x1  }
0x91: {  	s18 =	sld [smem:$0x3FFB];
	_ =	sdelay $0x3  }
0x92: {  	_ =	strace s18  }
0x93: {  	s3 =	sld [smem:$0x3FFC];
	_ =	sdelay $0x3  }
0x94: {  	_ =	strace s3  }
0x95: {  	s3 =	sld [smem:$0x3FFD];
	_ =	sdelay $0x3  }
0x96: {  	_ =	strace s3  }
0x97: {  	_ =	strace $0x8FFFFFFF  }
0x98: {  	s19 =	sld [smem:$0x3FDB];
	_ =	sdelay $0x1  }
0x99: {  	s4 =	simm.s32 $_scs_section_size  }
0x9a: {  	s5 =	simm.s32 $_size__tile_overlayer_lowered;
	s6 =	simm.s32 $_tile_overlayer_lowered  }
0x9b: {  	s22 =	simm.s32 $0x1BFF;
	s21 =	sshll.u32 s6, $0x1;
	s3 =	sadd.s32 s4, s19  }
0x9c: {  	s7 =	simm.s32 $0x0;
	s20 =	sshll.u32 s5, $0x1;
	s5 =	sadd.s32 s21, s3  }
0x9d: {  	[timem:s7], [sflag:s22] =	dma.local [hbm:s5], s20  }
0x9e: {  	_ =	swait.ge [sflag:s22], s20  }
0x9f: {  	s4 =	ssub.s32 $0x0, s20;
	[sflag:s22] =	ssyncset.done $0x0  }
0xa0: {  	[sflag:s22] =	ssyncadd.s32 s4;
	_ =	sdelay $0x1  }
0xa1: {  	s23 =	simm.s32 $0x1B8B  }
0xa2: {  	_ =	swait.ge [sflag:s23], $0x1  }
0xa3: {  	[sflag:s23] =	ssyncset.done $0x0  }
0xa4: {  	s25 =	simm.s32 $0x1B8E;
	s24 =	sld [smem:$0x3FFE];
	[sflag:s23] =	ssyncadd.s32 $0xFFFFFFFF  }
0xa5: {  	s26 =	simm.s32 $execute0_lowered;
	[smem:$0x3FD2] =	sst s25  }
0xa6: {  	s5 =	sshll.u32 s26, $0x1;
	_ =	strace $0x8000004F;
	[dreg:$0x1] =	wrdreg $0xFFFFFFFF  }
0xa7: {  	s28 =	simm.s32 $_size_execute0_lowered;
	s3 =	sadd.s32 s3, s5;
	[dreg:$0x0] =	wrdreg $0x0  }
0xa8: {  	s5 =	sshll.u32 s28, $0x1;
	[dreg:$0x2] =	wrdreg s3  }
0xa9: {  	[dreg:$0x3] =	wrdreg s5  }
0xaa: {  	[dreg:$0x4] =	wrdreg $0xC0  }
0xab: {  	_ =	task [dreg:s7], $0x5FFFF  }
0xac: {  	[dreg:$0x1] =	wrdreg $0xFFFFFFFF  }
0xad: {  	[dreg:$0x0] =	wrdreg $0x60  }
0xae: {  	[dreg:$0x2] =	wrdreg s24  }
0xaf: {  	[dreg:$0x3] =	wrdreg s2  }
0xb0: {  	[dreg:$0x4] =	wrdreg $0x9  }
0xb1: {  	_ =	task.clear_ibuf [dreg:s7], $0x5FFFF;
	_ =	strace $0x9000004F  }
0xb2: {  	s29 =	simm.s32 $0x9;
	_ =	strace $0x80000051  }
0xb3: {  	_ =	swait.ge [sflag:s29], $0x1  }
0xb4: {  	[sflag:s29] =	ssyncadd.s32 $0xFFFFFFFF  }
0xb5: {  	_ =	strace $0x90000051  }
0xb6: {  	_ =	sfence  }
0xb7: {  	s30 =	sld [smem:$0x0];
	_ =	sdelay $0x2  }
0xb8: {  	s31 =	sshll.u32 s1, $0xD;
	s1 =	sshrl.u32 s1, $0x2  }
0xb9: {  	s3 =	sand.u32 $0x4000, s31;
	s1 =	sadd.s32 s1, s30  }
0xba: {  	s0 =	sor.u32 s3, s0;
	s1 =	sshll.u32 s1, $0x11  }
0xbb: {  	s0 =	sor.u32 s1, s0  }
0xbc: {  	s0 =	sadd.s32 $0x8F2B, s0  }
0xbd: {  	[sflag:s0] =	ssyncadd.remote.s32 $0x1  }
0xbe: {  	_ =	sfence.sel $0xFFFF  }
0xbf: {  	[dreg:$0x0] =	wrdreg $0xFFFFFFFF;
	(pc) =	sbr.abs _section_cstart, $3  }
0xc0: {  	[dreg:$0x1] =	wrdreg $0xFFFFFFFF  }
0xc1: {  	_ =	task.clear_ibuf [dreg:s7], $0x2FFFF;
	_ =	strace $0x9FFFFFFF  }
0xc2: {  	(tm) =	ssettm $0x7FFFFFFF  }
0xc3: {  	_ =	shalt  }
tec
execute0_lowered:
.L_overlay_start_1:
0x0: {  	(tag) =	ssettag $0x1  }
0x1: {  	s0 =	rddreg [dreg:$0x0];
	s1 =	srdreg.scid  }
0x2: {  	s3 =	stileid.u32;
	s2 =	rddreg [dreg:$0x1];
	s21 =	simm.s32 $0xF00  }
0x3: {  	s22 =	simm.s32 $0x1700;
	s23 =	simm.s32 $0x1F00;
	s10 =	simm.s32 $0x2  }
0x4: {  	s24 =	simm.s32 $0x2700;
	s25 =	simm.s32 $0x2F00;
	s12 =	simm.s32 $0x1  }
0x5: {  	s26 =	simm.s32 $0x3700;
	s4 =	sshll.u32 s3, $0x1;
	s3 =	simm.s32 $0x0  }
0x6: {  	s13 =	simm.s32 $0x700;
	s6 =	sadd.s32 $0x384000, s0;
	[smem:$0x7FF] =	sst s3  }
0x7: {  	s31 =	simm.s32 $0x3F00;
	_ =	strace $0x80000050;
	[dreg:$0x3] =	wrdreg s6  }
0x8: {  	s15 =	simm.s32 $0x4F00;
	s16 =	simm.s32 $0x5700;
	[dreg:$0x4] =	wrdreg s21  }
0x9: {  	s28 =	simm.s32 $0xAF00;
	s29 =	simm.s32 $0xB700;
	[dreg:$0x5] =	wrdreg s22  }
0xa: {  	s30 =	simm.s32 $0xBF00;
	s1 =	sand.u32 $0x1, s1;
	[dreg:$0x6] =	wrdreg s23  }
0xb: {  	s7 =	sadd.s32 $0x100, s2;
	s8 =	sadd.s32 $0x200, s2;
	[dreg:$0x7] =	wrdreg s24  }
0xc: {  	s4 =	sor.u32 s1, s4;
	s1 =	ssub.s32 $0x2, s1;
	[dreg:$0x8] =	wrdreg s25  }
0xd: {  	s5 =	smul.u32 $0x88, s4;
	s17 =	sshrl.u32 s1, $0x1;
	[dreg:$0x9] =	wrdreg s26  }
0xe: {  	s20 =	sshll.u32 s4, $0x6;
	[dreg:$0xa] =	wrdreg s31;
	s21 =	simm.s32 $0x7F00  }
0xf: {  	s22 =	simm.s32 $0x8700;
	s23 =	simm.s32 $0x8F00;
	s24 =	simm.s32 $0x9700  }
0x10: {  	s25 =	simm.s32 $0x9F00;
	s26 =	simm.s32 $0xA700;
	s18 =	ssub.s32 s1, s17  }
.Ltmp0:
0x11: {  	s1 =	sshrl.u32 s20, $0x2;
	s17 =	simm.s32 $0x5F00;
	(pc) =	sbr.rel .LBB2_1-.Ltmp0, $4  }
0x12: {  	s5 =	sadd.s32 s5, s0;
	s0 =	sadd.s32 $0x2E00, s0;
	[dreg:$0xe] =	wrdreg s1  }
0x13: {  	v2 =	vlaneseq.u32;
	s20 =	simm.s32 $0x7700;
	[dreg:$0xb] =	wrdreg s0;
	s19 =	sadd.s32 $0x1C00, s5  }
0x14: {  	vm0 =	vmmov $0xffff;
	v1 =	vshrl.u32 v2, $0x3;
	s1 =	simm.s32 $0x0;
	s0 =	smax.u32 s18, $0x1;
	[dreg:$0xc] =	wrdreg s19  }
0x15: {  	v0 =	vand.u32 $0x7, v2;
	v2 =	vor.u32 $0x8, v2;
	v1 =	vmul.u32 $0x8, v1;
	s18 =	simm.s32 $0x6700;
	[dreg:$0xd] =	wrdreg s0;
	s19 =	simm.s32 $0x6F00  }
.LBB2_6:
0x16: {  	s1 =	rddreg [dreg:$0xf]  }
0x17: {  	s0 =	rddreg [dreg:$0xd];
	s1 =	sadd.s32 $0x1, s1  }
0x18: {  	p0 =	sne.s32 s1, s0  }
.Ltmp1:
0x19: {  	_ = 	snop;
	(pc) =	sbr.rel @!p0 .LBB2_7-.Ltmp1, $1  }
0x1a: {  	_ =	sdelay $0x3  }
.LBB2_1:
0x1b: {  	[dreg:$0xf] =	wrdreg s1  }
0x1c: {  	s0 =	simm.s32 $0x480;
	s9 =	rddreg [dreg:$0xb]  }
0x1d: {  	[tilespmem:s0], [sflag:$0x2] =	stream.linear.gather [hbm4b:s9+s3], $0x200, $0x38;
	[tilespmem:$0xC700] =	vst v63  }
0x1e: {  	_ =	swait.ge [sflag:s10], $0x200  }
0x1f: {  	[sflag:s10] =	ssyncset.done $0x0  }
0x20: {  	s11 =	rddreg [dreg:$0xc];
	[sflag:s10] =	ssyncadd.s32 $0xFFFFFE00  }
0x21: {  	[tilespmem:s3], [sflag:$0x2] =	stream.linear.gather [hbm4b:s11+s3], $0x440, $0x38;
	[tilespmem:$0xC700] =	vst v63  }
0x22: {  	_ =	swait.ge [sflag:s10], $0x440  }
0x23: {  	[sflag:s10] =	ssyncset.done $0x0  }
0x24: {  	[sflag:s10] =	ssyncadd.s32 $0xFFFFFBC0  }
0x25: {  	v3 =	vld [tilespmem:s0+$0x0]  }
0x26: {  	s14 =	simm.s32 $0x490  }
0x27: {  	s31 =	simm.s32 $0x4A0;
	v4 =	vld [tilespmem:s14+$0x0]  }
0x28: {  	v5 =	vld [tilespmem:s31+$0x0];
	_ =	sdelay $0x1  }
0x29: {  	(v2sf) =	vpush v3, $0x1;
	_ =	sdelay $0x1  }
0x2a: {  	(v2sf) =	vpush v4, $0x1  }
0x2b: {  	(v2sf) =	vpush v5, $0x1;
	_ =	sdelay $0x6  }
0x2c: {  	s1 =	simm.s32 $0x1  }
0x2d: {  	s6 =	simm.s32 $0x3;
	s9 =	simm.s32 $0x0;
	s5 =	rddreg [dreg:$0xe]  }
0x2e: {  	s11 =	simm.s32 $0x4B0;
	s0 =	simm.s32 $0x2;
	v3 =	vld [tilespmem:s5+$0x480];
	s5 =	simm.s32 $0x0  }
.LBB2_2:
0x2f: {  	v4 =	vld [tilespmem:s11+$0x0];
	p0 =	sne.s32 s6, $0x1F;
	s31 =	smov.u32 s6;
	s6 =	sadd.s32 $0x1, s6  }
.Ltmp2:
0x30: {  	(pc) =	sbr.rel @p0 .LBB2_2-.Ltmp2, $4  }
0x31: {  	p1 =	slt.u32 s9, s4;
	s9 =	smov.u32 s1;
	s14 =	spop (v2sf)  }
0x32: {  	s1 =	smov.u32 s0;
	s0 =	smov.u32 s31;
	s14 =	simm.s32 @!p1 $0x0  }
0x33: {  	s5 =	sadd.s32 s5, s14  }
0x34: {  	s11 =	sadd.s32 $0x10, s11;
	(v2sf) =	vpush v4, $0x1  }
0x35: {  	(v2sf) =	vpush v3, $0x1;
	_ =	sdelay $0xb  }
0x36: {  	s6 =	spop (v2sf)  }
0x37: {  	s11 =	spop (v2sf)  }
0x38: {  	s14 =	spop (v2sf)  }
0x39: {  	p0 =	slt.u32 s9, s4;
	s9 =	spop (v2sf)  }
0x3a: {  	s6 =	simm.s32 @!p0 $0x0;
	s31 =	sand.u32 $0x3F, s9  }
0x3b: {  	p1 =	slt.s32 s9, $0x1;
	p6 =	sne.s32 s31, $0x0;
	s31 =	sshra.s32 s9, $0x1F  }
0x3c: {  	s5 =	sadd.s32 s5, s6;
	s31 =	sshrl.u32 s31, $0x1A;
	p0 =	por !p1, !p6  }
0x3d: {  	s6 =	sadd.s32 s31, s9;
	p0 =	por !p0, !p0;
	s9 =	simm.s32 $0x1  }
0x3e: {  	s6 =	sshra.s32 s6, $0x6;
	s9 =	simm.s32 @!p0 $0x0  }
0x3f: {  	p1 =	slt.u32 s1, s4;
	p0 =	slt.u32 s0, s4;
	s1 =	ssub.s32 s6, s9  }
0x40: {  	s14 =	simm.s32 @!p0 $0x0;
	p0 =	slt.s32 s1, $0x1  }
.Ltmp3:
0x41: {  	_ = 	snop;
	(pc) =	sbr.rel @p0 .LBB2_6-.Ltmp3, $4  }
0x42: {  	_ = 	snop  }
0x43: {  	s11 =	simm.s32 @!p1 $0x0  }
0x44: {  	s31 =	sadd.s32 s5, s11  }
0x45: {  	s11 =	simm.s32 $0x4700;
	s0 =	sadd.s32 s31, s14  }
0x46: {  	s5 =	simm.s32 $0x20  }
.LBB2_5:
0x47: {  	v3 =	vld [tilespmem:s5+$0xFFFFFFE0];
	_ =	sdelay $0x4  }
0x48: {  	[tilespmem:$0x680] =	vst v3  }
0x49: {  	v3 =	vld [tilespmem:s5+$0xFFFFFFF0];
	_ =	sdelay $0x4  }
0x4a: {  	[tilespmem:$0x690] =	vst v3  }
0x4b: {  	v3 =	vld [tilespmem:s5+$0x0];
	_ =	sdelay $0x4  }
0x4c: {  	[tilespmem:$0x6A0] =	vst v3  }
0x4d: {  	v3 =	vld [tilespmem:s5+$0x10];
	_ =	sdelay $0x1  }
0x4e: {  	s6 =	sshrl.u32 s0, $0x3  }
0x4f: {  	s6 =	smul.u32 $0x300, s6  }
0x50: {  	s9 =	rddreg [dreg:$0x3]  }
0x51: {  	s6 =	sadd.s32 s9, s6;
	[tilespmem:$0x6B0] =	vst v3  }
0x52: {  	[tilespmem:s13], [sflag:$0x2] =	stream.linear.gather [hbm4b:s6+s3], $0xC000, $0x38;
	[tilespmem:$0xC700] =	vst v63  }
0x53: {  	_ =	swait.ge [sflag:s10], $0xC000  }
0x54: {  	[sflag:s10] =	ssyncset.done $0x0  }
0x55: {  	[sflag:s10] =	ssyncadd.s32 $0xFFFF4000  }
0x56: {  	v3 =	vld [tilespmem:$0x680];
	_ =	sdelay $0x4  }
0x57: {  	v4 =	vshrl.u32 v3, $0x3  }
0x58: {  	v4 =	vmul.u32 $0x30, v4  }
0x59: {  	v3 =	vand.u32 $0x7, v3  }
0x5a: {  	v3 =	vor.u32 v3, v4  }
0x5b: {  	v4 =	vperm.xlane v3, v0;
	_ =	sdelay $0x1  }
0x5c: {  	v4 =	vadd.s32 v1, v4;
	_ =	sdelay $0x3  }
0x5d: {  	v3 =	vperm.xlane v3, v2  }
0x5e: {  	[hbm4b:s2+s3] =	stream.indirect_vreg.scatter [tilespmem:s13], [sflag:$0x1], $0x80, v4, vm0, $0xb8;
	[tilespmem:$0xC700] =	vst v63  }
0x5f: {  	s9 =	rddreg [dreg:$0x4];
	v3 =	vadd.s32 v1, v3  }
0x60: {  	[hbm4b:s7+s3] =	stream.indirect_vreg.scatter [tilespmem:s9], [sflag:$0x1], $0x80, v4, vm0, $0xb8;
	[tilespmem:$0xC700] =	vst v63  }
0x61: {  	s14 =	rddreg [dreg:$0x5]  }
0x62: {  	[hbm4b:s8+s3] =	stream.indirect_vreg.scatter [tilespmem:s14], [sflag:$0x1], $0x80, v4, vm0, $0xb8;
	[tilespmem:$0xC700] =	vst v63  }
0x63: {  	s31 =	rddreg [dreg:$0x6]  }
0x64: {  	[hbm4b:s2+s3] =	stream.indirect_vreg.scatter [tilespmem:s31], [sflag:$0x1], $0x80, v3, vm0, $0xb8;
	[tilespmem:$0xC700] =	vst v63  }
0x65: {  	s14 =	rddreg [dreg:$0x7]  }
0x66: {  	[hbm4b:s7+s3] =	stream.indirect_vreg.scatter [tilespmem:s14], [sflag:$0x1], $0x80, v3, vm0, $0xb8;
	[tilespmem:$0xC700] =	vst v63  }
0x67: {  	s31 =	rddreg [dreg:$0x8]  }
0x68: {  	[hbm4b:s8+s3] =	stream.indirect_vreg.scatter [tilespmem:s31], [sflag:$0x1], $0x80, v3, vm0, $0xb8;
	[tilespmem:$0xC700] =	vst v63  }
0x69: {  	v3 =	vld [tilespmem:$0x690];
	_ =	sdelay $0x4  }
0x6a: {  	v61 =	vshrl.u32 v3, $0x3  }
0x6b: {  	v4 =	vmul.u32 $0x30, v61  }
0x6c: {  	v3 =	vand.u32 $0x7, v3  }
0x6d: {  	v3 =	vor.u32 v3, v4  }
0x6e: {  	v4 =	vperm.xlane v3, v0;
	_ =	sdelay $0x1  }
0x6f: {  	v4 =	vadd.s32 v1, v4;
	_ =	sdelay $0x3  }
0x70: {  	s14 =	rddreg [dreg:$0x9];
	v3 =	vperm.xlane v3, v2  }
0x71: {  	[hbm4b:s2+s3] =	stream.indirect_vreg.scatter [tilespmem:s14], [sflag:$0x1], $0x80, v4, vm0, $0xb8;
	[tilespmem:$0xC700] =	vst v63  }
0x72: {  	s31 =	rddreg [dreg:$0xa];
	v3 =	vadd.s32 v1, v3  }
0x73: {  	[hbm4b:s7+s3] =	stream.indirect_vreg.scatter [tilespmem:s31], [sflag:$0x1], $0x80, v4, vm0, $0xb8;
	[tilespmem:$0xC700] =	vst v63  }
0x74: {  	_ = 	snop  }
0x75: {  	[hbm4b:s8+s3] =	stream.indirect_vreg.scatter [tilespmem:s11], [sflag:$0x1], $0x80, v4, vm0, $0xb8;
	[tilespmem:$0xC700] =	vst v63  }
0x76: {  	_ = 	snop  }
0x77: {  	[hbm4b:s2+s3] =	stream.indirect_vreg.scatter [tilespmem:s15], [sflag:$0x1], $0x80, v3, vm0, $0xb8;
	[tilespmem:$0xC700] =	vst v63  }
0x78: {  	_ = 	snop  }
0x79: {  	[hbm4b:s7+s3] =	stream.indirect_vreg.scatter [tilespmem:s16], [sflag:$0x1], $0x80, v3, vm0, $0xb8;
	[tilespmem:$0xC700] =	vst v63  }
0x7a: {  	_ = 	snop  }
0x7b: {  	[hbm4b:s8+s3] =	stream.indirect_vreg.scatter [tilespmem:s17], [sflag:$0x1], $0x80, v3, vm0, $0xb8;
	[tilespmem:$0xC700] =	vst v63  }
0x7c: {  	v3 =	vld [tilespmem:$0x6A0];
	_ =	sdelay $0x4  }
0x7d: {  	v62 =	vshrl.u32 v3, $0x3  }
0x7e: {  	v4 =	vmul.u32 $0x30, v62  }
0x7f: {  	v3 =	vand.u32 $0x7, v3  }
0x80: {  	v3 =	vor.u32 v3, v4  }
0x81: {  	v4 =	vperm.xlane v3, v0;
	_ =	sdelay $0x1  }
0x82: {  	v4 =	vadd.s32 v1, v4;
	_ =	sdelay $0x3  }
0x83: {  	v3 =	vperm.xlane v3, v2  }
0x84: {  	[hbm4b:s2+s3] =	stream.indirect_vreg.scatter [tilespmem:s18], [sflag:$0x1], $0x80, v4, vm0, $0xb8;
	[tilespmem:$0xC700] =	vst v63  }
0x85: {  	v3 =	vadd.s32 v1, v3  }
0x86: {  	[hbm4b:s7+s3] =	stream.indirect_vreg.scatter [tilespmem:s19], [sflag:$0x1], $0x80, v4, vm0, $0xb8;
	[tilespmem:$0xC700] =	vst v63  }
0x87: {  	_ = 	snop  }
0x88: {  	[hbm4b:s8+s3] =	stream.indirect_vreg.scatter [tilespmem:s20], [sflag:$0x1], $0x80, v4, vm0, $0xb8;
	[tilespmem:$0xC700] =	vst v63  }
0x89: {  	_ = 	snop  }
0x8a: {  	[hbm4b:s2+s3] =	stream.indirect_vreg.scatter [tilespmem:s21], [sflag:$0x1], $0x80, v3, vm0, $0xb8;
	[tilespmem:$0xC700] =	vst v63  }
0x8b: {  	_ = 	snop  }
0x8c: {  	[hbm4b:s7+s3] =	stream.indirect_vreg.scatter [tilespmem:s22], [sflag:$0x1], $0x80, v3, vm0, $0xb8;
	[tilespmem:$0xC700] =	vst v63  }
0x8d: {  	_ = 	snop  }
0x8e: {  	[hbm4b:s8+s3] =	stream.indirect_vreg.scatter [tilespmem:s23], [sflag:$0x1], $0x80, v3, vm0, $0xb8;
	[tilespmem:$0xC700] =	vst v63  }
0x8f: {  	v3 =	vld [tilespmem:$0x6B0];
	_ =	sdelay $0x4  }
0x90: {  	v63 =	vshrl.u32 v3, $0x3  }
0x91: {  	v4 =	vmul.u32 $0x30, v63  }
0x92: {  	v3 =	vand.u32 $0x7, v3  }
0x93: {  	v3 =	vor.u32 v3, v4  }
0x94: {  	v4 =	vperm.xlane v3, v0;
	_ =	sdelay $0x1  }
0x95: {  	v4 =	vadd.s32 v1, v4;
	_ =	sdelay $0x3  }
0x96: {  	v3 =	vperm.xlane v3, v2  }
0x97: {  	[hbm4b:s2+s3] =	stream.indirect_vreg.scatter [tilespmem:s24], [sflag:$0x1], $0x80, v4, vm0, $0xb8;
	[tilespmem:$0xC700] =	vst v63  }
0x98: {  	v3 =	vadd.s32 v1, v3  }
0x99: {  	[hbm4b:s7+s3] =	stream.indirect_vreg.scatter [tilespmem:s25], [sflag:$0x1], $0x80, v4, vm0, $0xb8;
	[tilespmem:$0xC700] =	vst v63  }
0x9a: {  	_ = 	snop  }
0x9b: {  	[hbm4b:s8+s3] =	stream.indirect_vreg.scatter [tilespmem:s26], [sflag:$0x1], $0x80, v4, vm0, $0xb8;
	[tilespmem:$0xC700] =	vst v63  }
0x9c: {  	_ = 	snop  }
0x9d: {  	[hbm4b:s2+s3] =	stream.indirect_vreg.scatter [tilespmem:s28], [sflag:$0x1], $0x80, v3, vm0, $0xb8;
	[tilespmem:$0xC700] =	vst v63  }
0x9e: {  	p0 =	sne.s32 s1, $0x1  }
0x9f: {  	[hbm4b:s7+s3] =	stream.indirect_vreg.scatter [tilespmem:s29], [sflag:$0x1], $0x80, v3, vm0, $0xb8;
	[tilespmem:$0xC700] =	vst v63  }
.Ltmp4:
0xa0: {  	_ = 	snop;
	(pc) =	sbr.rel @p0 .LBB2_5-.Ltmp4, $4  }
0xa1: {  	[hbm4b:s8+s3] =	stream.indirect_vreg.scatter [tilespmem:s30], [sflag:$0x1], $0x80, v3, vm0, $0xb8;
	[tilespmem:$0xC700] =	vst v63  }
0xa2: {  	_ =	swait.ge [sflag:s12], $0xC000  }
0xa3: {  	s0 =	sadd.s32 $0x40, s0;
	[sflag:s12] =	ssyncset.done $0x0  }
0xa4: {  	s1 =	sadd.s32 $0xFFFFFFFF, s1;
	s5 =	sadd.s32 $0x40, s5;
	[sflag:s12] =	ssyncadd.s32 $0xFFFF4000  }
.Ltmp5:
0xa5: {  	_ = 	snop;
	(pc) =	sbr.rel .LBB2_6-.Ltmp5, $1  }
0xa6: {  	_ =	sdelay $0x3  }
.LBB2_7:
0xa7: {  	_ =	sfence.sel $0x180000  }
0xa8: {  	[bflag:$0x0] =	sbarrier.arrive $0xFFFF  }
0xa9: {  	_ =	strace $0x90000050  }
0xaa: {  	s0 =	stileid.u32;
	[bflag:$0x2] =	sbarrier.arrive $0xFFFF  }
0xab: {  	p0 =	sne.s32 s0, $0x0;
	s0 =	rddreg [dreg:$0x2]  }
0xac: {  	s0 =	sadd.s32 @!p0 $0x100000, s0  }
0xad: {  	[sflag:s0] =	ssyncadd.tile.s32 @!p0 $0x1;
	_ =	shalt  }
.Lfunc_end2:
_tile_overlayer_lowered:
.L_overlay_start_2:
0xae: {  	(tag) =	ssettag $0x2  }
0xaf: {  	s0 =	rddreg [dreg:$0x0];
	s2 =	stileid.u32  }
0xb0: {  	s1 =	rddreg [dreg:$0x1];
	p0 =	sne.s32 s2, $0x0  }
0xb1: {  	s3 =	rddreg [dreg:$0x2];
	[bflag:$0x3] =	sbarrier.arrive $0xFFFF;
	s2 =	simm.s32 @!p0 $0x1C02  }
0xb2: {  	[timem:s3], [sflag:s2] =	dma.local @!p0 [hbm:s0], s1  }
0xb3: {  	s0 =	simm.s32 @!p0 $0x2  }
0xb4: {  	_ =	swait.ge @!p0 [sflag:s0], s1  }
0xb5: {  	s1 =	ssub.s32 @!p0 $0x0, s1;
	[sflag:s0] =	ssyncset.done @!p0 $0x0  }
0xb6: {  	[sflag:s0] =	ssyncadd.s32 @!p0 s1  }
0xb7: {  	[bflag:$0x3] =	sbarrier.arrive $0xFFFF  }
0xb8: {  	_ =	shalt  }

// kernel: kernel.7.cloned.1.call-start
scs
__scs_entry_jumppad:
0x0: {  	(pc) =	sbr.rel $0x88, $3  }
0x1: {  	(tag) =	ssettag $0x0;
	lr =	simm.s32 $0x1  }
0x2: {  	[smem:$0x3F9A] =	sst lr;
	_ =	strace $0xD0000000  }
0x3: {  	_ = 	snop  }
0x4: {  	_ = 	snop  }
0x5: {  	_ = 	snop  }
0x6: {  	_ = 	snop  }
0x7: {  	_ = 	snop  }
__scs_overlays_trampoline_lowered:
0x8: {  	[smem:$0x3FA9] =	sst s0  }
0x9: {  	[smem:$0x3FAA] =	sst s1  }
0xa: {  	[smem:$0x3FAB] =	sst s2  }
0xb: {  	[smem:$0x3FAC] =	sst s3  }
0xc: {  	[smem:$0x3FAD] =	sst s4  }
0xd: {  	[smem:$0x3FAE] =	sst s5  }
0xe: {  	[smem:$0x3FAF] =	sst s6  }
0xf: {  	[smem:$0x3FB0] =	sst s7  }
0x10: {  	[smem:$0x3FB1] =	sst s8  }
0x11: {  	[smem:$0x3FB2] =	sst s9;
	s0 =	simm.s32 @!p0 $0x0  }
0x12: {  	s1 =	sld [smem:$0x3F98];
	s0 =	simm.s32 @p0 $0x1  }
0x13: {  	[smem:$0x3FB3] =	sst s0;
	s0 =	simm.s32 @!p1 $0x0  }
0x14: {  	s2 =	sld [smem:$0x3F97];
	s0 =	simm.s32 @p1 $0x1  }
0x15: {  	[smem:$0x3FB4] =	sst s0;
	s0 =	simm.s32 @!p2 $0x0  }
0x16: {  	s3 =	sld [smem:$0x3FDB];
	s0 =	simm.s32 @p2 $0x1  }
0x17: {  	s4 =	simm.s32 $0x1BF5;
	[smem:$0x3FB6] =	sst s0  }
0x18: {  	s0 =	sld [smem:$0x3F99];
	_ =	swait.ge [sflag:s4], $0x0  }
0x19: {  	s7 =	sld [smem:$0x3F9A]  }
0x1a: {  	s8 =	sadd.s32 $0xFFFFE003, lr  }
0x1b: {  	s9 =	sadd.s32 $0xFFFFFEF7, lr;
	s5 =	simm.s32 $0xFFFFFFFF;
	p2 =	slt.u32 s8, $0xFFFFF086  }
0x1c: {  	p1 =	slt.u32 s9, $0xF7A;
	s5 =	simm.s32 @!p2 $0x0  }
0x1d: {  	s5 =	simm.s32 @p1 $0x1;
	p0 =	seq.s32 s7, s2  }
0x1e: {  	s7 =	smul.u32 @!p0 $0xF7A, s2;
	p2 =	seq.s32 @!p0 s5, $0x0  }
0x1f: {  	s9 =	smul.u32 $0xF7A, s1;
	s8 =	simm.s32 @!p0 $0x1BF5;
	p2 =	por !p2, p0  }
0x20: {  	[sflag:s8] =	ssyncset.s32 @!p0 $0xFFFFF086;
	s6 =	sadd.s32 @!p0 s3, s7;
	s7 =	simm.s32 @!p0 $0x108  }
0x21: {  	s3 =	sadd.s32 s3, s9;
	s6 =	sadd.s32 @!p0 $0x88, s6;
	s7 =	simm.s32 @p2 $0x1082  }
0x22: {  	[simem:s7], [sflag:s8] =	dma.local @!p0 [hbm:s6], $0xF7A  }
0x23: {  	s9 =	sor.u32 $0xD0000000, s2;
	s6 =	simm.s32 $0x108;
	_ =	swait.ge @!p0 [sflag:s8], $0x0  }
0x24: {  	s3 =	sadd.s32 $0x88, s3;
	s6 =	simm.s32 @!p1 $0x1082;
	[sflag:s4] =	ssyncset.s32 $0xFFFFF086  }
0x25: {  	[simem:s6], [sflag:s4] =	dma.local [hbm:s3], $0xF7A  }
0x26: {  	[smem:$0x3F9A] =	sst s1;
	(tag) =	ssettag s2;
	_ =	strace s9  }
0x27: {  	s1 =	sld [smem:$0x3FAA]  }
0x28: {  	s2 =	sld [smem:$0x3FAB]  }
0x29: {  	s4 =	sld [smem:$0x3FAD]  }
0x2a: {  	p0 =	seq.s32 s5, $0x0;
	s5 =	sld [smem:$0x3FAE]  }
0x2b: {  	s6 =	sld [smem:$0x3FAF]  }
0x2c: {  	s7 =	sld [smem:$0x3FB0]  }
0x2d: {  	s3 =	simm.s32 $0x108;
	s8 =	sld [smem:$0x3FB1]  }
0x2e: {  	s3 =	simm.s32 @!p0 $0x1082;
	s9 =	sld [smem:$0x3FB2]  }
0x2f: {  	lr =	sadd.s32 s0, s3;
	s0 =	sld [smem:$0x3FA9]  }
0x30: {  	s3 =	sld [smem:$0x3FAC]  }
0x31: {  	[smem:$0x3FB5] =	sst s10  }
0x32: {  	s10 =	sld [smem:$0x3FB3];
	_ =	sdelay $0x3  }
0x33: {  	p0 =	seq.s32 s10, $0x1;
	s10 =	sld [smem:$0x3FB5];
	_ =	sdelay $0x3  }
0x34: {  	[smem:$0x3FB5] =	sst s10  }
0x35: {  	s10 =	sld [smem:$0x3FB4];
	_ =	sdelay $0x3  }
0x36: {  	p1 =	seq.s32 s10, $0x1;
	s10 =	sld [smem:$0x3FB5];
	_ =	sdelay $0x3  }
0x37: {  	[smem:$0x3FB5] =	sst s10  }
0x38: {  	s10 =	sld [smem:$0x3FB6]  }
0x39: {  	_ = 	snop;
	(pc) =	sbr.ind lr, $3  }
0x3a: {  	_ = 	snop  }
0x3b: {  	_ = 	snop  }
0x3c: {  	p2 =	seq.s32 s10, $0x1;
	s10 =	sld [smem:$0x3FB5]  }
0x3d: {  	_ =	shalt  }
0x3e: {  	_ =	shalt  }
0x3f: {  	_ =	shalt  }
0x40: {  	_ =	shalt  }
0x41: {  	_ =	shalt  }
0x42: {  	_ =	shalt  }
0x43: {  	_ =	shalt  }
0x44: {  	_ =	shalt  }
0x45: {  	_ =	shalt  }
0x46: {  	_ =	shalt  }
0x47: {  	_ =	shalt  }
0x48: {  	_ =	shalt  }
0x49: {  	_ =	shalt  }
0x4a: {  	_ =	shalt  }
0x4b: {  	_ =	shalt  }
0x4c: {  	_ =	shalt  }
0x4d: {  	_ =	shalt  }
0x4e: {  	_ =	shalt  }
0x4f: {  	_ =	shalt  }
0x50: {  	_ =	shalt  }
0x51: {  	_ =	shalt  }
0x52: {  	_ =	shalt  }
0x53: {  	_ =	shalt  }
0x54: {  	_ =	shalt  }
0x55: {  	_ =	shalt  }
0x56: {  	_ =	shalt  }
0x57: {  	_ =	shalt  }
0x58: {  	_ =	shalt  }
0x59: {  	_ =	shalt  }
0x5a: {  	_ =	shalt  }
0x5b: {  	_ =	shalt  }
0x5c: {  	_ =	shalt  }
0x5d: {  	_ =	shalt  }
0x5e: {  	_ =	shalt  }
0x5f: {  	_ =	shalt  }
0x60: {  	_ =	shalt  }
0x61: {  	_ =	shalt  }
0x62: {  	_ =	shalt  }
0x63: {  	_ =	shalt  }
0x64: {  	_ =	shalt  }
0x65: {  	_ =	shalt  }
0x66: {  	_ =	shalt  }
0x67: {  	_ =	shalt  }
0x68: {  	_ =	shalt  }
0x69: {  	_ =	shalt  }
0x6a: {  	_ =	shalt  }
0x6b: {  	_ =	shalt  }
0x6c: {  	_ =	shalt  }
0x6d: {  	_ =	shalt  }
0x6e: {  	_ =	shalt  }
0x6f: {  	_ =	shalt  }
0x70: {  	_ =	shalt  }
0x71: {  	_ =	shalt  }
0x72: {  	_ =	shalt  }
0x73: {  	_ =	shalt  }
0x74: {  	_ =	shalt  }
0x75: {  	_ =	shalt  }
0x76: {  	_ =	shalt  }
0x77: {  	_ =	shalt  }
0x78: {  	_ =	shalt  }
0x79: {  	_ =	shalt  }
0x7a: {  	_ =	shalt  }
0x7b: {  	_ =	shalt  }
0x7c: {  	_ =	shalt  }
0x7d: {  	_ =	shalt  }
0x7e: {  	_ =	shalt  }
0x7f: {  	_ =	shalt  }
0x80: {  	_ =	shalt  }
0x81: {  	_ =	shalt  }
0x82: {  	_ =	shalt  }
0x83: {  	_ =	shalt  }
0x84: {  	_ =	shalt  }
0x85: {  	_ =	shalt  }
0x86: {  	_ =	shalt  }
0x87: {  	_ =	shalt  }
.Lfunc_end0:
.L_simem_size_0:
called_computation_lowered:
.L_overlay_start_0:
0x88: {  	s2 =	sld [smem:$0x3FD9]  }
0x89: {  	s3 =	sld [smem:$0x3FFE];
	_ =	sdelay $0x1  }
0x8a: {  	s1 =	srdreg.scid  }
0x8b: {  	s0 =	sand.u32 $0x1, s1  }
0x8c: {  	s17 =	sshll.u32 s0, $0xA;
	s2 =	sadd.s32 s3, s2  }
0x8d: {  	s2 =	sadd.s32 s2, s17  }
0x8e: {  	[smem:$0x3FC1] =	sst s2  }
0x8f: {  	_ = 	snop  }
0x90: {  	s2 =	sld [smem:$0x3FD0];
	(tm) =	ssettm $0x1  }
0x91: {  	s18 =	sld [smem:$0x3FFB];
	_ =	sdelay $0x3  }
0x92: {  	_ =	strace s18  }
0x93: {  	s3 =	sld [smem:$0x3FFC];
	_ =	sdelay $0x3  }
0x94: {  	_ =	strace s3  }
0x95: {  	s3 =	sld [smem:$0x3FFD];
	_ =	sdelay $0x3  }
0x96: {  	_ =	strace s3  }
0x97: {  	_ =	strace $0x8FFFFFFF  }
0x98: {  	s19 =	sld [smem:$0x3FDB];
	_ =	sdelay $0x1  }
0x99: {  	s4 =	simm.s32 $_scs_section_size  }
0x9a: {  	s5 =	simm.s32 $_size__tile_overlayer_lowered;
	s6 =	simm.s32 $_tile_overlayer_lowered  }
0x9b: {  	s22 =	simm.s32 $0x1BFF;
	s21 =	sshll.u32 s6, $0x1;
	s3 =	sadd.s32 s4, s19  }
0x9c: {  	s7 =	simm.s32 $0x0;
	s20 =	sshll.u32 s5, $0x1;
	s5 =	sadd.s32 s21, s3  }
0x9d: {  	[timem:s7], [sflag:s22] =	dma.local [hbm:s5], s20  }
0x9e: {  	_ =	swait.ge [sflag:s22], s20  }
0x9f: {  	s4 =	ssub.s32 $0x0, s20;
	[sflag:s22] =	ssyncset.done $0x0  }
0xa0: {  	[sflag:s22] =	ssyncadd.s32 s4;
	_ =	sdelay $0x1  }
0xa1: {  	s23 =	simm.s32 $0x1B8B  }
0xa2: {  	_ =	swait.ge [sflag:s23], $0x1  }
0xa3: {  	[sflag:s23] =	ssyncset.done $0x0  }
0xa4: {  	s25 =	simm.s32 $0x1B8E;
	s24 =	sld [smem:$0x3FFE];
	[sflag:s23] =	ssyncadd.s32 $0xFFFFFFFF  }
0xa5: {  	s26 =	simm.s32 $execute0_lowered;
	[smem:$0x3FD2] =	sst s25  }
0xa6: {  	s5 =	sshll.u32 s26, $0x1;
	_ =	strace $0x80000046;
	[dreg:$0x1] =	wrdreg $0xFFFFFFFF  }
0xa7: {  	s28 =	simm.s32 $_size_execute0_lowered;
	s3 =	sadd.s32 s3, s5;
	[dreg:$0x0] =	wrdreg $0x0  }
0xa8: {  	s5 =	sshll.u32 s28, $0x1;
	[dreg:$0x2] =	wrdreg s3  }
0xa9: {  	[dreg:$0x3] =	wrdreg s5  }
0xaa: {  	[dreg:$0x4] =	wrdreg $0xC0  }
0xab: {  	_ =	task [dreg:s7], $0x5FFFF  }
0xac: {  	[dreg:$0x1] =	wrdreg $0xFFFFFFFF  }
0xad: {  	[dreg:$0x0] =	wrdreg $0x60  }
0xae: {  	[dreg:$0x2] =	wrdreg s2  }
0xaf: {  	[dreg:$0x3] =	wrdreg s24  }
0xb0: {  	[dreg:$0x4] =	wrdreg $0x9  }
0xb1: {  	_ =	task.clear_ibuf [dreg:s7], $0x5FFFF;
	_ =	strace $0x90000046  }
0xb2: {  	s29 =	simm.s32 $0x9;
	_ =	strace $0x80000048  }
0xb3: {  	_ =	swait.ge [sflag:s29], $0x1  }
0xb4: {  	[sflag:s29] =	ssyncadd.s32 $0xFFFFFFFF  }
0xb5: {  	_ =	strace $0x90000048  }
0xb6: {  	_ =	sfence  }
0xb7: {  	s30 =	sld [smem:$0x0];
	_ =	sdelay $0x2  }
0xb8: {  	s31 =	sshll.u32 s1, $0xD;
	s1 =	sshrl.u32 s1, $0x2  }
0xb9: {  	s3 =	sand.u32 $0x4000, s31;
	s1 =	sadd.s32 s1, s30  }
0xba: {  	s0 =	sor.u32 s3, s0;
	s1 =	sshll.u32 s1, $0x11  }
0xbb: {  	s0 =	sor.u32 s1, s0  }
0xbc: {  	s0 =	sadd.s32 $0x8F2B, s0  }
0xbd: {  	[sflag:s0] =	ssyncadd.remote.s32 $0x1  }
0xbe: {  	_ =	sfence.sel $0xFFFF  }
0xbf: {  	[dreg:$0x0] =	wrdreg $0xFFFFFFFF;
	(pc) =	sbr.abs _section_cstart, $3  }
0xc0: {  	[dreg:$0x1] =	wrdreg $0xFFFFFFFF  }
0xc1: {  	_ =	task.clear_ibuf [dreg:s7], $0x2FFFF;
	_ =	strace $0x9FFFFFFF  }
0xc2: {  	(tm) =	ssettm $0x7FFFFFFF  }
0xc3: {  	_ =	shalt  }
tec
execute0_lowered:
.L_overlay_start_1:
0x0: {  	(tag) =	ssettag $0x1  }
0x1: {  	s3 =	rddreg [dreg:$0x0]  }
0x2: {  	s1 =	srdreg.scid;
	s0 =	stileid.u32  }
0x3: {  	s4 =	rddreg [dreg:$0x1];
	s2 =	simm.s32 $0x0;
	s12 =	simm.s32 $0xD00  }
0x4: {  	s13 =	simm.s32 $0x0;
	s8 =	sand.u32 $0x1, s1;
	s1 =	rddreg [dreg:$0x2]  }
0x5: {  	s5 =	sshll.u32 s0, $0x1;
	[smem:$0x7FF] =	sst s2;
	s31 =	sshll.u32 s0, $0xB  }
0x6: {  	s5 =	sor.u32 s8, s5;
	_ =	strace $0x80000047;
	s9 =	ssub.s32 $0x2, s8  }
0x7: {  	s8 =	sshll.u32 s8, $0xA;
	s6 =	smul.u32 $0x88, s5;
	s7 =	sshll.u32 s5, $0x1  }
0x8: {  	s30 =	sshrl.u32 s9, $0x1;
	s10 =	sshll.u32 s5, $0x7;
	s11 =	sshll.u32 s5, $0xA  }
0x9: {  	s8 =	sor.u32 s8, s31;
	s7 =	sadd.s32 s7, s4;
	s9 =	ssub.s32 s9, s30  }
0xa: {  	s3 =	sadd.s32 s3, s10;
	s10 =	simm.s32 $0x400;
	s6 =	sadd.s32 s6, s4  }
0xb: {  	v0 =	vmov s11;
	s11 =	simm.s32 $0x880;
	s4 =	sadd.s32 $0x1C00, s6;
	s5 =	sadd.s32 $0xA00, s6  }
0xc: {  	v1 =	vlaneseq.u32;
	v2 =	vimm.s32 $0x0;
	vm0 =	vcmask $0x704;
	s6 =	sadd.s32 $0x2E00, s7;
	s7 =	smax.u32 s9, $0x1;
	s9 =	simm.s32 $0x1  }
.LBB2_1:
0xd: {  	[tilespmem:s2], [sflag:$0x1] =	stream.linear.gather [hbm4b:s3+s2], $0x400, $0x38;
	[tilespmem:$0xD80] =	vst v63  }
0xe: {  	_ =	swait.ge [sflag:s9], $0x400  }
0xf: {  	[sflag:s9] =	ssyncset.done $0x0  }
0x10: {  	s14 =	simm.s32 $0x0;
	[sflag:s9] =	ssyncadd.s32 $0xFFFFFC00  }
0x11: {  	v3 =	vld [tilespmem:s14+$0x0];
	_ =	sdelay $0x4  }
0x12: {  	vm1 =	vgt.f32 v3, $0.0e+00  }
0x13: {  	v4 =	vsel vm1, $0x1, v2  }
0x14: {  	(xrf0) =	vadd.scan.msk.s32 $0xffff, v4;
	_ =	sdelay $0x2  }
0x15: {  	v63 =	vmov s2  }
0x16: {  	v4 =	vadd.s32 $0xFFFFFFFF, v63  }
0x17: {  	v4 =	vbroadcast v4, $0x0  }
0x18: {  	v5, _, _ =	vpop (xrf0)  }
0x19: {  	v4 =	vadd.s32 v5, v4;
	(v2sf) =	vpush v5, $0xF;
	_ =	sdelay $0x3  }
0x1a: {  	v6 =	vor.u32 s8, v1  }
0x1b: {  	s17 =	simm.s32 $0x10;
	[tilespmem:v4+s10+$0x0] =	vst.idx.msk vm1, v6  }
0x1c: {  	s16 =	simm.s32 $0x80;
	s15 =	simm.s32 $0x0;
	s14 =	smov.u32 s8;
	[tilespmem:v4+s11+$0x0] =	vst.idx.msk vm1, v3  }
.LBB2_2:
0x1d: {  	p0 =	sne.s32 s16, $0xFC0;
	v3 =	vld [tilespmem:s17+$0x0];
	_ =	sdelay $0x4  }
0x1e: {  	vm1 =	vgt.f32 v3, $0.0e+00  }
0x1f: {  	v4 =	vsel vm1, $0x1, v2  }
0x20: {  	(xrf0) =	vadd.scan.msk.s32 $0xffff, v4  }
0x21: {  	s17 =	spop (v2sf)  }
0x22: {  	s15 =	sadd.s32 s15, s17  }
0x23: {  	v4 =	vmov s15  }
0x24: {  	v4 =	vadd.s32 $0xFFFFFFFF, v4  }
0x25: {  	v4 =	vbroadcast v4, $0x0  }
0x26: {  	v5, _, _ =	vpop (xrf0)  }
0x27: {  	v4 =	vadd.s32 v5, v4;
	(v2sf) =	vpush v5, $0xF;
	_ =	sdelay $0x1  }
.Ltmp0:
0x28: {  	(pc) =	sbr.rel @p0 .LBB2_2-.Ltmp0, $4  }
0x29: {  	s14 =	sadd.s32 $0x10, s14  }
0x2a: {  	v5 =	vor.u32 s14, v1  }
0x2b: {  	[tilespmem:v4+s10+$0x0] =	vst.idx.msk vm1, v5  }
0x2c: {  	s17 =	sshra.s32 s16, $0x2;
	s16 =	sadd.s32 $0x40, s16;
	[tilespmem:v4+s11+$0x0] =	vst.idx.msk vm1, v3  }
0x2d: {  	v3 =	vld [tilespmem:s17+$0x0];
	_ =	sdelay $0x4  }
0x2e: {  	vm1 =	vgt.f32 v3, $0.0e+00  }
0x2f: {  	v4 =	vsel vm1, $0x1, v2  }
0x30: {  	(xrf0) =	vadd.scan.msk.s32 $0xffff, v4;
	_ =	sdelay $0x5  }
0x31: {  	v4, _, _ =	vpop (xrf0)  }
0x32: {  	(v2sf) =	vpush v4, $0xF;
	_ =	sdelay $0x9  }
0x33: {  	s16 =	spop (v2sf)  }
0x34: {  	s15 =	sadd.s32 s15, s16  }
0x35: {  	v5 =	vmov s15  }
0x36: {  	v5 =	vadd.s32 $0xFFFFFFFF, v5  }
0x37: {  	v5 =	vbroadcast v5, $0x0  }
0x38: {  	s24 =	spop (v2sf)  }
0x39: {  	v4 =	vadd.s32 v4, v5;
	s15 =	sadd.s32 s15, s24  }
0x3a: {  	s16 =	sadd.s32 $0x3F, s15  }
0x3b: {  	s14 =	sadd.s32 $0x10, s14;
	s25 =	sand.u32 $0x3F, s16  }
0x3c: {  	s26 =	sshra.s32 s16, $0x1F;
	p1 =	slt.s32 s16, $0x1;
	p0 =	sne.s32 s25, $0x0  }
0x3d: {  	v60 =	vor.u32 s14, v1;
	s28 =	sshrl.u32 s26, $0x1A;
	p0 =	por !p1, !p0  }
0x3e: {  	[tilespmem:v4+s10+$0x0] =	vst.idx.msk vm1, v60;
	s14 =	sadd.s32 s28, s16;
	s16 =	simm.s32 $0x1;
	p0 =	por !p0, !p0  }
0x3f: {  	[tilespmem:v4+s11+$0x0] =	vst.idx.msk vm1, v3;
	s14 =	sshrl.u32 s14, $0x6;
	s16 =	simm.s32 @!p0 $0x0  }
0x40: {  	v3 =	vld [tilespmem:$0x0];
	s14 =	ssub.s32 s14, s16  }
0x41: {  	v61 =	vadd.s32 s15, v1;
	s14 =	sshll.u32 s14, $0x6  }
0x42: {  	s29 =	sadd.s32 $0x10, s15;
	vm1 =	vlt.s32 v61, s14  }
0x43: {  	v62 =	vadd.s32 s29, v1  }
0x44: {  	s30 =	sadd.s32 $0x20, s15;
	vm2 =	vlt.s32 v62, s14  }
0x45: {  	v3 =	vadd.f32 $0.0e+00, v3;
	v6 =	vadd.s32 s30, v1  }
0x46: {  	s31 =	sadd.s32 $0x30, s15;
	vm3 =	vlt.s32 v6, s14  }
0x47: {  	v3 =	vbroadcast v3, $0x0;
	v7 =	vadd.s32 s31, v1  }
0x48: {  	vm4 =	vlt.s32 v7, s14;
	[tilespmem:v61+s10+$0x0] =	vst.idx.msk vm1, v0  }
0x49: {  	[tilespmem:v61+s11+$0x0] =	vst.idx.msk vm1, v3  }
0x4a: {  	[tilespmem:v62+s10+$0x0] =	vst.idx.msk vm2, v0  }
0x4b: {  	[tilespmem:v62+s11+$0x0] =	vst.idx.msk vm2, v3  }
0x4c: {  	[tilespmem:v6+s10+$0x0] =	vst.idx.msk vm3, v0  }
0x4d: {  	v63 =	vmov s14;
	[tilespmem:v6+s11+$0x0] =	vst.idx.msk vm3, v3  }
0x4e: {  	v4 =	vnsel vm0, $0x0, v63;
	vm1 =	veq.s32 v1, $0x0;
	[tilespmem:v7+s10+$0x0] =	vst.idx.msk vm4, v0  }
0x4f: {  	[tilespmem:v7+s11+$0x0] =	vst.idx.msk vm4, v3;
	v3 =	vsel vm1, s15, v4  }
0x50: {  	[tilespmem:$0xD00] =	vst v3  }
0x51: {  	[hbm4b:s4+s2] =	stream.linear.scatter [tilespmem:s10], [sflag:$0x1], $0x440, $0x38;
	[tilespmem:$0xD80] =	vst v63  }
0x52: {  	_ =	swait.ge [sflag:s9], $0x440  }
0x53: {  	[sflag:s9] =	ssyncset.done $0x0  }
0x54: {  	[sflag:s9] =	ssyncadd.s32 $0xFFFFFBC0  }
0x55: {  	[hbm4b:s5+s2] =	stream.linear.scatter [tilespmem:s11], [sflag:$0x1], $0x440, $0x38;
	[tilespmem:$0xD80] =	vst v63  }
0x56: {  	s13 =	sadd.s32 $0x1, s13;
	_ =	swait.ge [sflag:s9], $0x440  }
0x57: {  	p0 =	sne.s32 s13, s7;
	[sflag:s9] =	ssyncset.done $0x0  }
.Ltmp1:
0x58: {  	[sflag:s9] =	ssyncadd.s32 $0xFFFFFBC0;
	(pc) =	sbr.rel @p0 .LBB2_1-.Ltmp1, $4  }
0x59: {  	[hbm4b:s6+s2] =	stream.linear.scatter [tilespmem:s12], [sflag:$0x1], $0x10, $0x38;
	[tilespmem:$0xD80] =	vst v63  }
0x5a: {  	_ =	swait.ge [sflag:s9], $0x10  }
0x5b: {  	[sflag:s9] =	ssyncset.done $0x0  }
0x5c: {  	[sflag:s9] =	ssyncadd.s32 $0xFFFFFFF0  }
0x5d: {  	_ =	sfence.sel $0x180000  }
0x5e: {  	[bflag:$0x0] =	sbarrier.arrive $0xFFFF  }
0x5f: {  	p0 =	sne.s32 s0, $0x0;
	_ =	strace $0x90000047  }
0x60: {  	s0 =	sadd.s32 @!p0 $0x100000, s1;
	[bflag:$0x2] =	sbarrier.arrive $0xFFFF  }
0x61: {  	[sflag:s0] =	ssyncadd.tile.s32 @!p0 $0x1;
	_ =	shalt  }
.Lfunc_end2:
_tile_overlayer_lowered:
.L_overlay_start_2:
0x62: {  	(tag) =	ssettag $0x2  }
0x63: {  	s0 =	rddreg [dreg:$0x0];
	s2 =	stileid.u32  }
0x64: {  	s1 =	rddreg [dreg:$0x1];
	p0 =	sne.s32 s2, $0x0  }
0x65: {  	s3 =	rddreg [dreg:$0x2];
	[bflag:$0x3] =	sbarrier.arrive $0xFFFF;
	s2 =	simm.s32 @!p0 $0x1C01  }
0x66: {  	[timem:s3], [sflag:s2] =	dma.local @!p0 [hbm:s0], s1  }
0x67: {  	s0 =	simm.s32 @!p0 $0x1  }
0x68: {  	_ =	swait.ge @!p0 [sflag:s0], s1  }
0x69: {  	s1 =	ssub.s32 @!p0 $0x0, s1;
	[sflag:s0] =	ssyncset.done @!p0 $0x0  }
0x6a: {  	[sflag:s0] =	ssyncadd.s32 @!p0 s1  }
0x6b: {  	[bflag:$0x3] =	sbarrier.arrive $0xFFFF  }
0x6c: {  	_ =	shalt  }

</sc_bundles>
